<compile_context>
chip_gen: v7x
topology: tpu7x:2x2x1
jax: 0.10.2.dev20260603
libtpu: 0.0.44.dev20260713+nightly
codegen_flags: <defaults>
</compile_context>

<pallas_src>
import functools

import jax
import jax.numpy as jnp
from jax import lax
from jax.experimental import pallas as pl
from jax.experimental.pallas import tpu as pltpu
from jax.experimental.pallas import tpu_sc as plsc

NC = 2
NS = 16
NW = NC * NS
LANES = 16
RCHUNK = 1600
NBUF = 2


def _gather_relu(num_chunks, d_emb, ids, table):
    mesh = plsc.VectorSubcoreMesh(
        core_axis_name="c", subcore_axis_name="s", num_cores=NC,
        num_subcores=NS)
    vecs_per_row = d_emb // LANES

    @functools.partial(
        pl.kernel,
        out_type=jax.ShapeDtypeStruct((NW, num_chunks, RCHUNK, d_emb),
                                      jnp.float32),
        mesh=mesh,
        scratch_types=[
            pltpu.VMEM((num_chunks, RCHUNK), jnp.int32),
            *[pltpu.VMEM((RCHUNK, d_emb), jnp.float32) for _ in range(NBUF)],
            *[pltpu.SemaphoreType.DMA for _ in range(2 * NBUF)],
        ],
        compiler_params=pltpu.CompilerParams(use_tc_tiling_on_sc=False),
    )
    def k(ids_hbm, table_hbm, out_hbm, idx_v, *bufs_and_sems):
        bufs = bufs_and_sems[:NBUF]
        gsems = bufs_and_sems[NBUF:2 * NBUF]
        ssems = bufs_and_sems[2 * NBUF:3 * NBUF]
        wid = lax.axis_index("s") * NC + lax.axis_index("c")
        pltpu.sync_copy(ids_hbm.at[wid], idx_v)

        def relu(buf):
            def relu_row(i, c2):
                for v in range(vecs_per_row):
                    sl = pl.ds(v * LANES, LANES)
                    buf[i, sl] = jnp.maximum(buf[i, sl], 0.0)
                return c2
            lax.fori_loop(0, RCHUNK, relu_row, 0, unroll=8)

        gather_d = [None] * NBUF
        store_d = [None] * NBUF
        gather_d[0] = pltpu.async_copy(
            table_hbm.at[idx_v.at[0]], bufs[0], gsems[0])
        for j in range(num_chunks):
            b = j % NBUF
            gather_d[b].wait()
            nxt = j + 1
            if nxt < num_chunks:
                nb = nxt % NBUF
                if store_d[nb] is not None:
                    store_d[nb].wait()
                    store_d[nb] = None
                gather_d[nb] = pltpu.async_copy(
                    table_hbm.at[idx_v.at[nxt]], bufs[nb], gsems[nb])
            relu(bufs[b])
            store_d[b] = pltpu.async_copy(
                bufs[b], out_hbm.at[wid, j], ssems[b])
        for d in store_d:
            if d is not None:
                d.wait()

    return k(ids, table)


@jax.jit
def kernel(input_ids, weight):
    b, l = input_ids.shape
    v, p, alpha = weight.shape
    d_emb = p * alpha
    total = b * l
    num_chunks = total // (NW * RCHUNK)
    ids = input_ids.reshape(NW, num_chunks, RCHUNK).astype(jnp.int32)
    table = weight.reshape(v, d_emb)
    out = _gather_relu(num_chunks, d_emb, ids, table)
    return out.reshape(b, l, d_emb)

# --- scband reference (transcript-rebuilt; emitter-appended) ---
"""Pipeline reference for scband-cepta-embedding-69501160784328 (READ-ONLY COPY).

The authoritative reference and input builder live on the scoring server;
editing this copy changes nothing except your own understanding.
"""

import jax, jax.numpy as jnp
import numpy as np

VOCAB = 1000000
P = 8
ALPHA = 4
D_EMB = P * ALPHA


def setup_inputs(seed: int = 0) -> dict:
    key = jax.random.key(seed)
    k1, k2 = jax.random.split(key)
    input_ids = jax.random.randint(k1, (4096, 50), 0, VOCAB, dtype=jnp.int64 if jax.config.read('jax_enable_x64') else jnp.int32)
    # Per-token perceptron parameters: vocab_size x P ports x alpha units per port
    weight = jax.random.normal(k2, (VOCAB, P, ALPHA), dtype=jnp.float32) * 0.02
    return {"input_ids": input_ids, "weight": weight}


def reference(input_ids, weight):
    # CeptaPerceptronIndex: gather per-token perceptron pre-activations
    u = jnp.take(weight, input_ids, axis=0)          # [B, L, P, alpha]
    # hard firing mask (no STE since use_ste=False)
    f_hard = (u > 0).astype(u.dtype)                 # [B, L, P, alpha]
    # local port output: gated pre-activation
    y = u * f_hard                                   # [B, L, P, alpha]
    # flatten_ports: [B, L, P, alpha] -> [B, L, P*alpha]
    x_flat = y.reshape(y.shape[:-2] + (D_EMB,))
    # D_out == D_emb so W_out is None; no output projection
    return x_flat

if __name__ == "__main__":
    import jax
    _d = setup_inputs()
    print(jax.jit(kernel)(*tuple(_d.values())))

</pallas_src>

<mosaic_0001>
#map = affine_map<(d0, d1) -> (0, 0, 0)>
#map1 = affine_map<(d0, d1) -> (0, 0)>
#map2 = affine_map<(d0, d1) -> (0, 0, 0, 0)>
module attributes {stable_mosaic.version = 14 : i64} {
  func.func @k(%arg0: i32, %arg1: i32, %arg2: memref<32x4x1600xi32, #tpu.memory_space<hbm>>, %arg3: memref<1000000x32xf32, #tpu.memory_space<hbm>>, %arg4: memref<32x4x1600x32xf32, #tpu.memory_space<hbm>>, %arg5: memref<4x1600xi32, #tpu.memory_space<vmem>>, %arg6: memref<1600x32xf32, #tpu.memory_space<vmem>>, %arg7: memref<1600x32xf32, #tpu.memory_space<vmem>>, %arg8: memref<!tpu.dma_semaphore, #tpu.memory_space<semaphore_mem>>, %arg9: memref<!tpu.dma_semaphore, #tpu.memory_space<semaphore_mem>>, %arg10: memref<!tpu.dma_semaphore, #tpu.memory_space<semaphore_mem>>, %arg11: memref<!tpu.dma_semaphore, #tpu.memory_space<semaphore_mem>>) attributes {dimension_semantics = [#tpu.dimension_semantics<core_parallel>, #tpu.dimension_semantics<subcore_parallel>], iteration_bounds = array<i64: 2, 16>, scalar_prefetch = 0 : i64, scratch_operands = 7 : i64, tpu.core_type = #tpu.core_type<sc_vector_subcore>, window_params = [{transform_indices = #map}, {transform_indices = #map1}, {transform_indices = #map2}]} {
    %mul3A = arith.constant 2 : i32
    %mul3A_0 = arith.muli %arg1, %mul3A : i32
    %add3A = arith.addi %mul3A_0, %arg0 : i32
    "tpu.region"() ({
      %run_scoped3A = tpu.sem_alloc : memref<!tpu.dma_semaphore, #tpu.memory_space<semaphore_mem>>
      %dma_start3A_150 = arith.constant 0 : i32
      %dma_start3A_151 = arith.constant 0 : i32
      %dma_start3A_152 = tpu.memref_slice %arg2[%add3A, %dma_start3A_150, %dma_start3A_151] : memref<32x4x1600xi32, #tpu.memory_space<hbm>> -> memref<1x4x1600xi32, #tpu.memory_space<hbm>>
      %dma_start3A_153 = tpu.memref_squeeze %dma_start3A_152 : memref<1x4x1600xi32, #tpu.memory_space<hbm>> -> memref<4x1600xi32, #tpu.memory_space<hbm>>
      %dma_start3A_154 = arith.constant 0 : i32
      %dma_start3A_155 = arith.constant 0 : i32
      %dma_start3A_156 = tpu.memref_slice %arg2[%add3A, %dma_start3A_154, %dma_start3A_155] : memref<32x4x1600xi32, #tpu.memory_space<hbm>> -> memref<1x4x1600xi32, #tpu.memory_space<hbm>>
      %dma_start3A_157 = tpu.memref_squeeze %dma_start3A_156 : memref<1x4x1600xi32, #tpu.memory_space<hbm>> -> memref<4x1600xi32, #tpu.memory_space<hbm>>
      tpu.enqueue_dma source(%dma_start3A_157 : memref<4x1600xi32, #tpu.memory_space<hbm>>) target(%arg5 : memref<4x1600xi32, #tpu.memory_space<vmem>>) target_semaphore(%run_scoped3A : memref<!tpu.dma_semaphore, #tpu.memory_space<semaphore_mem>>)
      %dma_wait3A_158 = arith.constant 0 : i32
      %dma_wait3A_159 = arith.constant 0 : i32
      %dma_wait3A_160 = tpu.memref_slice %arg2[%add3A, %dma_wait3A_158, %dma_wait3A_159] : memref<32x4x1600xi32, #tpu.memory_space<hbm>> -> memref<1x4x1600xi32, #tpu.memory_space<hbm>>
      %dma_wait3A_161 = tpu.memref_squeeze %dma_wait3A_160 : memref<1x4x1600xi32, #tpu.memory_space<hbm>> -> memref<4x1600xi32, #tpu.memory_space<hbm>>
      %dma_wait3A_162 = arith.constant 0 : i32
      %dma_wait3A_163 = arith.constant 0 : i32
      %dma_wait3A_164 = tpu.memref_slice %arg2[%add3A, %dma_wait3A_162, %dma_wait3A_163] : memref<32x4x1600xi32, #tpu.memory_space<hbm>> -> memref<1x4x1600xi32, #tpu.memory_space<hbm>>
      %dma_wait3A_165 = tpu.memref_squeeze %dma_wait3A_164 : memref<1x4x1600xi32, #tpu.memory_space<hbm>> -> memref<4x1600xi32, #tpu.memory_space<hbm>>
      tpu.wait_dma2 semaphore(%run_scoped3A : memref<!tpu.dma_semaphore, #tpu.memory_space<semaphore_mem>>) src(%dma_wait3A_165 : memref<4x1600xi32, #tpu.memory_space<hbm>>) dst(%arg5 : memref<4x1600xi32, #tpu.memory_space<vmem>>)
      tpu.yield
    }) : () -> ()
    %dma_start3A = arith.constant 0 : i32
    %dma_start3A_1 = arith.constant 0 : i32
    %dma_start3A_2 = tpu.memref_slice %arg5[%dma_start3A, %dma_start3A_1] : memref<4x1600xi32, #tpu.memory_space<vmem>> -> memref<1x1600xi32, #tpu.memory_space<vmem>>
    %dma_start3A_3 = tpu.memref_squeeze %dma_start3A_2 : memref<1x1600xi32, #tpu.memory_space<vmem>> -> memref<1600xi32, #tpu.memory_space<vmem>>
    %dma_start3A_4 = arith.constant 0 : i32
    %dma_start3A_5 = arith.constant 0 : i32
    %dma_start3A_6 = tpu.memref_slice %arg3[%dma_start3A_4, %dma_start3A_5] : memref<1000000x32xf32, #tpu.memory_space<hbm>> -> memref<1000000x32xf32, #tpu.memory_space<hbm>>
    tpu.enqueue_indirect_dma source(%dma_start3A_6 : memref<1000000x32xf32, #tpu.memory_space<hbm>>) target(%arg6 : memref<1600x32xf32, #tpu.memory_space<vmem>>) offsets(%dma_start3A_3 : memref<1600xi32, #tpu.memory_space<vmem>>) semaphore(%arg8 : memref<!tpu.dma_semaphore, #tpu.memory_space<semaphore_mem>>)
    %dma_wait3A = arith.constant 0 : i32
    %dma_wait3A_7 = arith.constant 0 : i32
    %dma_wait3A_8 = tpu.memref_slice %arg5[%dma_wait3A, %dma_wait3A_7] : memref<4x1600xi32, #tpu.memory_space<vmem>> -> memref<1x1600xi32, #tpu.memory_space<vmem>>
    %dma_wait3A_9 = tpu.memref_squeeze %dma_wait3A_8 : memref<1x1600xi32, #tpu.memory_space<vmem>> -> memref<1600xi32, #tpu.memory_space<vmem>>
    %dma_wait3A_10 = arith.constant 0 : i32
    %dma_wait3A_11 = arith.constant 0 : i32
    %dma_wait3A_12 = tpu.memref_slice %arg3[%dma_wait3A_10, %dma_wait3A_11] : memref<1000000x32xf32, #tpu.memory_space<hbm>> -> memref<1000000x32xf32, #tpu.memory_space<hbm>>
    tpu.wait_indirect_dma semaphore(%arg8 : memref<!tpu.dma_semaphore, #tpu.memory_space<semaphore_mem>>) src(%dma_wait3A_12 : memref<1000000x32xf32, #tpu.memory_space<hbm>>) dst(%arg6 : memref<1600x32xf32, #tpu.memory_space<vmem>>)
    %dma_start3A_13 = arith.constant 1 : i32
    %dma_start3A_14 = arith.constant 0 : i32
    %dma_start3A_15 = tpu.memref_slice %arg5[%dma_start3A_13, %dma_start3A_14] : memref<4x1600xi32, #tpu.memory_space<vmem>> -> memref<1x1600xi32, #tpu.memory_space<vmem>>
    %dma_start3A_16 = tpu.memref_squeeze %dma_start3A_15 : memref<1x1600xi32, #tpu.memory_space<vmem>> -> memref<1600xi32, #tpu.memory_space<vmem>>
    %dma_start3A_17 = arith.constant 0 : i32
    %dma_start3A_18 = arith.constant 0 : i32
    %dma_start3A_19 = tpu.memref_slice %arg3[%dma_start3A_17, %dma_start3A_18] : memref<1000000x32xf32, #tpu.memory_space<hbm>> -> memref<1000000x32xf32, #tpu.memory_space<hbm>>
    tpu.enqueue_indirect_dma source(%dma_start3A_19 : memref<1000000x32xf32, #tpu.memory_space<hbm>>) target(%arg7 : memref<1600x32xf32, #tpu.memory_space<vmem>>) offsets(%dma_start3A_16 : memref<1600xi32, #tpu.memory_space<vmem>>) semaphore(%arg9 : memref<!tpu.dma_semaphore, #tpu.memory_space<semaphore_mem>>)
    %scan3A = arith.constant 0 : i32
    %scan3A_20 = arith.constant 0 : i32
    %scan3A_21 = arith.constant 1600 : i32
    %scan3A_22 = arith.addi %scan3A_20, %scan3A_21 : i32
    %scan3A_23 = arith.constant 8 : i32
    scf.for %scan3A_150 = %scan3A_20 to %scan3A_22 step %scan3A_23  : i32 {
      %get3A = arith.index_cast %scan3A_150 : i32 to index
      %get3A_151 = arith.constant 0 : index
      %get3A_152 = tpu.vector_load %arg6[%get3A, %get3A_151] {strides = array<i32>} : memref<1600x32xf32, #tpu.memory_space<vmem>>, vector<1x16xf32>,
      %get3A_153 = vector.shape_cast %get3A_152 : vector<1x16xf32> to vector<16xf32>
      %max3A = arith.constant 0.000000e+00 : f32
      %max3A_154 = vector.broadcast %max3A : f32 to vector<16xf32>
      %max3A_155 = arith.maximumf %get3A_153, %max3A_154 : vector<16xf32>
      %swap3A = arith.index_cast %scan3A_150 : i32 to index
      %swap3A_156 = arith.constant 0 : index
      %swap3A_157 = tpu.vector_load %arg6[%swap3A, %swap3A_156] {strides = array<i32>} : memref<1600x32xf32, #tpu.memory_space<vmem>>, vector<1x16xf32>,
      %swap3A_158 = vector.shape_cast %swap3A_157 : vector<1x16xf32> to vector<16xf32>
      %swap3A_159 = vector.shape_cast %max3A_155 : vector<16xf32> to vector<1x16xf32>
      tpu.vector_store %arg6[%swap3A, %swap3A_156], %swap3A_159 {strides = array<i32>} : memref<1600x32xf32, #tpu.memory_space<vmem>>, vector<1x16xf32>,
      %get3A_160 = arith.index_cast %scan3A_150 : i32 to index
      %get3A_161 = arith.constant 16 : index
      %get3A_162 = tpu.vector_load %arg6[%get3A_160, %get3A_161] {strides = array<i32>} : memref<1600x32xf32, #tpu.memory_space<vmem>>, vector<1x16xf32>,
      %get3A_163 = vector.shape_cast %get3A_162 : vector<1x16xf32> to vector<16xf32>
      %max3A_164 = arith.constant 0.000000e+00 : f32
      %max3A_165 = vector.broadcast %max3A_164 : f32 to vector<16xf32>
      %max3A_166 = arith.maximumf %get3A_163, %max3A_165 : vector<16xf32>
      %swap3A_167 = arith.index_cast %scan3A_150 : i32 to index
      %swap3A_168 = arith.constant 16 : index
      %swap3A_169 = tpu.vector_load %arg6[%swap3A_167, %swap3A_168] {strides = array<i32>} : memref<1600x32xf32, #tpu.memory_space<vmem>>, vector<1x16xf32>,
      %swap3A_170 = vector.shape_cast %swap3A_169 : vector<1x16xf32> to vector<16xf32>
      %swap3A_171 = vector.shape_cast %max3A_166 : vector<16xf32> to vector<1x16xf32>
      tpu.vector_store %arg6[%swap3A_167, %swap3A_168], %swap3A_171 {strides = array<i32>} : memref<1600x32xf32, #tpu.memory_space<vmem>>, vector<1x16xf32>,
      %scan3A_172 = arith.constant 1 : i32
      %scan3A_173 = arith.addi %scan3A_150, %scan3A_172 : i32
      %get3A_174 = arith.index_cast %scan3A_173 : i32 to index
      %get3A_175 = arith.constant 0 : index
      %get3A_176 = tpu.vector_load %arg6[%get3A_174, %get3A_175] {strides = array<i32>} : memref<1600x32xf32, #tpu.memory_space<vmem>>, vector<1x16xf32>,
      %get3A_177 = vector.shape_cast %get3A_176 : vector<1x16xf32> to vector<16xf32>
      %max3A_178 = arith.constant 0.000000e+00 : f32
      %max3A_179 = vector.broadcast %max3A_178 : f32 to vector<16xf32>
      %max3A_180 = arith.maximumf %get3A_177, %max3A_179 : vector<16xf32>
      %swap3A_181 = arith.index_cast %scan3A_173 : i32 to index
      %swap3A_182 = arith.constant 0 : index
      %swap3A_183 = tpu.vector_load %arg6[%swap3A_181, %swap3A_182] {strides = array<i32>} : memref<1600x32xf32, #tpu.memory_space<vmem>>, vector<1x16xf32>,
      %swap3A_184 = vector.shape_cast %swap3A_183 : vector<1x16xf32> to vector<16xf32>
      %swap3A_185 = vector.shape_cast %max3A_180 : vector<16xf32> to vector<1x16xf32>
      tpu.vector_store %arg6[%swap3A_181, %swap3A_182], %swap3A_185 {strides = array<i32>} : memref<1600x32xf32, #tpu.memory_space<vmem>>, vector<1x16xf32>,
      %get3A_186 = arith.index_cast %scan3A_173 : i32 to index
      %get3A_187 = arith.constant 16 : index
      %get3A_188 = tpu.vector_load %arg6[%get3A_186, %get3A_187] {strides = array<i32>} : memref<1600x32xf32, #tpu.memory_space<vmem>>, vector<1x16xf32>,
      %get3A_189 = vector.shape_cast %get3A_188 : vector<1x16xf32> to vector<16xf32>
      %max3A_190 = arith.constant 0.000000e+00 : f32
      %max3A_191 = vector.broadcast %max3A_190 : f32 to vector<16xf32>
      %max3A_192 = arith.maximumf %get3A_189, %max3A_191 : vector<16xf32>
      %swap3A_193 = arith.index_cast %scan3A_173 : i32 to index
      %swap3A_194 = arith.constant 16 : index
      %swap3A_195 = tpu.vector_load %arg6[%swap3A_193, %swap3A_194] {strides = array<i32>} : memref<1600x32xf32, #tpu.memory_space<vmem>>, vector<1x16xf32>,
      %swap3A_196 = vector.shape_cast %swap3A_195 : vector<1x16xf32> to vector<16xf32>
      %swap3A_197 = vector.shape_cast %max3A_192 : vector<16xf32> to vector<1x16xf32>
      tpu.vector_store %arg6[%swap3A_193, %swap3A_194], %swap3A_197 {strides = array<i32>} : memref<1600x32xf32, #tpu.memory_space<vmem>>, vector<1x16xf32>,
      %scan3A_198 = arith.constant 2 : i32
      %scan3A_199 = arith.addi %scan3A_150, %scan3A_198 : i32
      %get3A_200 = arith.index_cast %scan3A_199 : i32 to index
      %get3A_201 = arith.constant 0 : index
      %get3A_202 = tpu.vector_load %arg6[%get3A_200, %get3A_201] {strides = array<i32>} : memref<1600x32xf32, #tpu.memory_space<vmem>>, vector<1x16xf32>,
      %get3A_203 = vector.shape_cast %get3A_202 : vector<1x16xf32> to vector<16xf32>
      %max3A_204 = arith.constant 0.000000e+00 : f32
      %max3A_205 = vector.broadcast %max3A_204 : f32 to vector<16xf32>
      %max3A_206 = arith.maximumf %get3A_203, %max3A_205 : vector<16xf32>
      %swap3A_207 = arith.index_cast %scan3A_199 : i32 to index
      %swap3A_208 = arith.constant 0 : index
      %swap3A_209 = tpu.vector_load %arg6[%swap3A_207, %swap3A_208] {strides = array<i32>} : memref<1600x32xf32, #tpu.memory_space<vmem>>, vector<1x16xf32>,
      %swap3A_210 = vector.shape_cast %swap3A_209 : vector<1x16xf32> to vector<16xf32>
      %swap3A_211 = vector.shape_cast %max3A_206 : vector<16xf32> to vector<1x16xf32>
      tpu.vector_store %arg6[%swap3A_207, %swap3A_208], %swap3A_211 {strides = array<i32>} : memref<1600x32xf32, #tpu.memory_space<vmem>>, vector<1x16xf32>,
      %get3A_212 = arith.index_cast %scan3A_199 : i32 to index
      %get3A_213 = arith.constant 16 : index
      %get3A_214 = tpu.vector_load %arg6[%get3A_212, %get3A_213] {strides = array<i32>} : memref<1600x32xf32, #tpu.memory_space<vmem>>, vector<1x16xf32>,
      %get3A_215 = vector.shape_cast %get3A_214 : vector<1x16xf32> to vector<16xf32>
      %max3A_216 = arith.constant 0.000000e+00 : f32
      %max3A_217 = vector.broadcast %max3A_216 : f32 to vector<16xf32>
      %max3A_218 = arith.maximumf %get3A_215, %max3A_217 : vector<16xf32>
      %swap3A_219 = arith.index_cast %scan3A_199 : i32 to index
      %swap3A_220 = arith.constant 16 : index
      %swap3A_221 = tpu.vector_load %arg6[%swap3A_219, %swap3A_220] {strides = array<i32>} : memref<1600x32xf32, #tpu.memory_space<vmem>>, vector<1x16xf32>,
      %swap3A_222 = vector.shape_cast %swap3A_221 : vector<1x16xf32> to vector<16xf32>
      %swap3A_223 = vector.shape_cast %max3A_218 : vector<16xf32> to vector<1x16xf32>
      tpu.vector_store %arg6[%swap3A_219, %swap3A_220], %swap3A_223 {strides = array<i32>} : memref<1600x32xf32, #tpu.memory_space<vmem>>, vector<1x16xf32>,
      %scan3A_224 = arith.constant 3 : i32
      %scan3A_225 = arith.addi %scan3A_150, %scan3A_224 : i32
      %get3A_226 = arith.index_cast %scan3A_225 : i32 to index
      %get3A_227 = arith.constant 0 : index
      %get3A_228 = tpu.vector_load %arg6[%get3A_226, %get3A_227] {strides = array<i32>} : memref<1600x32xf32, #tpu.memory_space<vmem>>, vector<1x16xf32>,
      %get3A_229 = vector.shape_cast %get3A_228 : vector<1x16xf32> to vector<16xf32>
      %max3A_230 = arith.constant 0.000000e+00 : f32
      %max3A_231 = vector.broadcast %max3A_230 : f32 to vector<16xf32>
      %max3A_232 = arith.maximumf %get3A_229, %max3A_231 : vector<16xf32>
      %swap3A_233 = arith.index_cast %scan3A_225 : i32 to index
      %swap3A_234 = arith.constant 0 : index
      %swap3A_235 = tpu.vector_load %arg6[%swap3A_233, %swap3A_234] {strides = array<i32>} : memref<1600x32xf32, #tpu.memory_space<vmem>>, vector<1x16xf32>,
      %swap3A_236 = vector.shape_cast %swap3A_235 : vector<1x16xf32> to vector<16xf32>
      %swap3A_237 = vector.shape_cast %max3A_232 : vector<16xf32> to vector<1x16xf32>
      tpu.vector_store %arg6[%swap3A_233, %swap3A_234], %swap3A_237 {strides = array<i32>} : memref<1600x32xf32, #tpu.memory_space<vmem>>, vector<1x16xf32>,
      %get3A_238 = arith.index_cast %scan3A_225 : i32 to index
      %get3A_239 = arith.constant 16 : index
      %get3A_240 = tpu.vector_load %arg6[%get3A_238, %get3A_239] {strides = array<i32>} : memref<1600x32xf32, #tpu.memory_space<vmem>>, vector<1x16xf32>,
      %get3A_241 = vector.shape_cast %get3A_240 : vector<1x16xf32> to vector<16xf32>
      %max3A_242 = arith.constant 0.000000e+00 : f32
      %max3A_243 = vector.broadcast %max3A_242 : f32 to vector<16xf32>
      %max3A_244 = arith.maximumf %get3A_241, %max3A_243 : vector<16xf32>
      %swap3A_245 = arith.index_cast %scan3A_225 : i32 to index
      %swap3A_246 = arith.constant 16 : index
      %swap3A_247 = tpu.vector_load %arg6[%swap3A_245, %swap3A_246] {strides = array<i32>} : memref<1600x32xf32, #tpu.memory_space<vmem>>, vector<1x16xf32>,
      %swap3A_248 = vector.shape_cast %swap3A_247 : vector<1x16xf32> to vector<16xf32>
      %swap3A_249 = vector.shape_cast %max3A_244 : vector<16xf32> to vector<1x16xf32>
      tpu.vector_store %arg6[%swap3A_245, %swap3A_246], %swap3A_249 {strides = array<i32>} : memref<1600x32xf32, #tpu.memory_space<vmem>>, vector<1x16xf32>,
      %scan3A_250 = arith.constant 4 : i32
      %scan3A_251 = arith.addi %scan3A_150, %scan3A_250 : i32
      %get3A_252 = arith.index_cast %scan3A_251 : i32 to index
      %get3A_253 = arith.constant 0 : index
      %get3A_254 = tpu.vector_load %arg6[%get3A_252, %get3A_253] {strides = array<i32>} : memref<1600x32xf32, #tpu.memory_space<vmem>>, vector<1x16xf32>,
      %get3A_255 = vector.shape_cast %get3A_254 : vector<1x16xf32> to vector<16xf32>
      %max3A_256 = arith.constant 0.000000e+00 : f32
      %max3A_257 = vector.broadcast %max3A_256 : f32 to vector<16xf32>
      %max3A_258 = arith.maximumf %get3A_255, %max3A_257 : vector<16xf32>
      %swap3A_259 = arith.index_cast %scan3A_251 : i32 to index
      %swap3A_260 = arith.constant 0 : index
      %swap3A_261 = tpu.vector_load %arg6[%swap3A_259, %swap3A_260] {strides = array<i32>} : memref<1600x32xf32, #tpu.memory_space<vmem>>, vector<1x16xf32>,
      %swap3A_262 = vector.shape_cast %swap3A_261 : vector<1x16xf32> to vector<16xf32>
      %swap3A_263 = vector.shape_cast %max3A_258 : vector<16xf32> to vector<1x16xf32>
      tpu.vector_store %arg6[%swap3A_259, %swap3A_260], %swap3A_263 {strides = array<i32>} : memref<1600x32xf32, #tpu.memory_space<vmem>>, vector<1x16xf32>,
      %get3A_264 = arith.index_cast %scan3A_251 : i32 to index
      %get3A_265 = arith.constant 16 : index
      %get3A_266 = tpu.vector_load %arg6[%get3A_264, %get3A_265] {strides = array<i32>} : memref<1600x32xf32, #tpu.memory_space<vmem>>, vector<1x16xf32>,
      %get3A_267 = vector.shape_cast %get3A_266 : vector<1x16xf32> to vector<16xf32>
      %max3A_268 = arith.constant 0.000000e+00 : f32
      %max3A_269 = vector.broadcast %max3A_268 : f32 to vector<16xf32>
      %max3A_270 = arith.maximumf %get3A_267, %max3A_269 : vector<16xf32>
      %swap3A_271 = arith.index_cast %scan3A_251 : i32 to index
      %swap3A_272 = arith.constant 16 : index
      %swap3A_273 = tpu.vector_load %arg6[%swap3A_271, %swap3A_272] {strides = array<i32>} : memref<1600x32xf32, #tpu.memory_space<vmem>>, vector<1x16xf32>,
      %swap3A_274 = vector.shape_cast %swap3A_273 : vector<1x16xf32> to vector<16xf32>
      %swap3A_275 = vector.shape_cast %max3A_270 : vector<16xf32> to vector<1x16xf32>
      tpu.vector_store %arg6[%swap3A_271, %swap3A_272], %swap3A_275 {strides = array<i32>} : memref<1600x32xf32, #tpu.memory_space<vmem>>, vector<1x16xf32>,
      %scan3A_276 = arith.constant 5 : i32
      %scan3A_277 = arith.addi %scan3A_150, %scan3A_276 : i32
      %get3A_278 = arith.index_cast %scan3A_277 : i32 to index
      %get3A_279 = arith.constant 0 : index
      %get3A_280 = tpu.vector_load %arg6[%get3A_278, %get3A_279] {strides = array<i32>} : memref<1600x32xf32, #tpu.memory_space<vmem>>, vector<1x16xf32>,
      %get3A_281 = vector.shape_cast %get3A_280 : vector<1x16xf32> to vector<16xf32>
      %max3A_282 = arith.constant 0.000000e+00 : f32
      %max3A_283 = vector.broadcast %max3A_282 : f32 to vector<16xf32>
      %max3A_284 = arith.maximumf %get3A_281, %max3A_283 : vector<16xf32>
      %swap3A_285 = arith.index_cast %scan3A_277 : i32 to index
      %swap3A_286 = arith.constant 0 : index
      %swap3A_287 = tpu.vector_load %arg6[%swap3A_285, %swap3A_286] {strides = array<i32>} : memref<1600x32xf32, #tpu.memory_space<vmem>>, vector<1x16xf32>,
      %swap3A_288 = vector.shape_cast %swap3A_287 : vector<1x16xf32> to vector<16xf32>
      %swap3A_289 = vector.shape_cast %max3A_284 : vector<16xf32> to vector<1x16xf32>
      tpu.vector_store %arg6[%swap3A_285, %swap3A_286], %swap3A_289 {strides = array<i32>} : memref<1600x32xf32, #tpu.memory_space<vmem>>, vector<1x16xf32>,
      %get3A_290 = arith.index_cast %scan3A_277 : i32 to index
      %get3A_291 = arith.constant 16 : index
      %get3A_292 = tpu.vector_load %arg6[%get3A_290, %get3A_291] {strides = array<i32>} : memref<1600x32xf32, #tpu.memory_space<vmem>>, vector<1x16xf32>,
      %get3A_293 = vector.shape_cast %get3A_292 : vector<1x16xf32> to vector<16xf32>
      %max3A_294 = arith.constant 0.000000e+00 : f32
      %max3A_295 = vector.broadcast %max3A_294 : f32 to vector<16xf32>
      %max3A_296 = arith.maximumf %get3A_293, %max3A_295 : vector<16xf32>
      %swap3A_297 = arith.index_cast %scan3A_277 : i32 to index
      %swap3A_298 = arith.constant 16 : index
      %swap3A_299 = tpu.vector_load %arg6[%swap3A_297, %swap3A_298] {strides = array<i32>} : memref<1600x32xf32, #tpu.memory_space<vmem>>, vector<1x16xf32>,
      %swap3A_300 = vector.shape_cast %swap3A_299 : vector<1x16xf32> to vector<16xf32>
      %swap3A_301 = vector.shape_cast %max3A_296 : vector<16xf32> to vector<1x16xf32>
      tpu.vector_store %arg6[%swap3A_297, %swap3A_298], %swap3A_301 {strides = array<i32>} : memref<1600x32xf32, #tpu.memory_space<vmem>>, vector<1x16xf32>,
      %scan3A_302 = arith.constant 6 : i32
      %scan3A_303 = arith.addi %scan3A_150, %scan3A_302 : i32
      %get3A_304 = arith.index_cast %scan3A_303 : i32 to index
      %get3A_305 = arith.constant 0 : index
      %get3A_306 = tpu.vector_load %arg6[%get3A_304, %get3A_305] {strides = array<i32>} : memref<1600x32xf32, #tpu.memory_space<vmem>>, vector<1x16xf32>,
      %get3A_307 = vector.shape_cast %get3A_306 : vector<1x16xf32> to vector<16xf32>
      %max3A_308 = arith.constant 0.000000e+00 : f32
      %max3A_309 = vector.broadcast %max3A_308 : f32 to vector<16xf32>
      %max3A_310 = arith.maximumf %get3A_307, %max3A_309 : vector<16xf32>
      %swap3A_311 = arith.index_cast %scan3A_303 : i32 to index
      %swap3A_312 = arith.constant 0 : index
      %swap3A_313 = tpu.vector_load %arg6[%swap3A_311, %swap3A_312] {strides = array<i32>} : memref<1600x32xf32, #tpu.memory_space<vmem>>, vector<1x16xf32>,
      %swap3A_314 = vector.shape_cast %swap3A_313 : vector<1x16xf32> to vector<16xf32>
      %swap3A_315 = vector.shape_cast %max3A_310 : vector<16xf32> to vector<1x16xf32>
      tpu.vector_store %arg6[%swap3A_311, %swap3A_312], %swap3A_315 {strides = array<i32>} : memref<1600x32xf32, #tpu.memory_space<vmem>>, vector<1x16xf32>,
      %get3A_316 = arith.index_cast %scan3A_303 : i32 to index
      %get3A_317 = arith.constant 16 : index
      %get3A_318 = tpu.vector_load %arg6[%get3A_316, %get3A_317] {strides = array<i32>} : memref<1600x32xf32, #tpu.memory_space<vmem>>, vector<1x16xf32>,
      %get3A_319 = vector.shape_cast %get3A_318 : vector<1x16xf32> to vector<16xf32>
      %max3A_320 = arith.constant 0.000000e+00 : f32
      %max3A_321 = vector.broadcast %max3A_320 : f32 to vector<16xf32>
      %max3A_322 = arith.maximumf %get3A_319, %max3A_321 : vector<16xf32>
      %swap3A_323 = arith.index_cast %scan3A_303 : i32 to index
      %swap3A_324 = arith.constant 16 : index
      %swap3A_325 = tpu.vector_load %arg6[%swap3A_323, %swap3A_324] {strides = array<i32>} : memref<1600x32xf32, #tpu.memory_space<vmem>>, vector<1x16xf32>,
      %swap3A_326 = vector.shape_cast %swap3A_325 : vector<1x16xf32> to vector<16xf32>
      %swap3A_327 = vector.shape_cast %max3A_322 : vector<16xf32> to vector<1x16xf32>
      tpu.vector_store %arg6[%swap3A_323, %swap3A_324], %swap3A_327 {strides = array<i32>} : memref<1600x32xf32, #tpu.memory_space<vmem>>, vector<1x16xf32>,
      %scan3A_328 = arith.constant 7 : i32
      %scan3A_329 = arith.addi %scan3A_150, %scan3A_328 : i32
      %get3A_330 = arith.index_cast %scan3A_329 : i32 to index
      %get3A_331 = arith.constant 0 : index
      %get3A_332 = tpu.vector_load %arg6[%get3A_330, %get3A_331] {strides = array<i32>} : memref<1600x32xf32, #tpu.memory_space<vmem>>, vector<1x16xf32>,
      %get3A_333 = vector.shape_cast %get3A_332 : vector<1x16xf32> to vector<16xf32>
      %max3A_334 = arith.constant 0.000000e+00 : f32
      %max3A_335 = vector.broadcast %max3A_334 : f32 to vector<16xf32>
      %max3A_336 = arith.maximumf %get3A_333, %max3A_335 : vector<16xf32>
      %swap3A_337 = arith.index_cast %scan3A_329 : i32 to index
      %swap3A_338 = arith.constant 0 : index
      %swap3A_339 = tpu.vector_load %arg6[%swap3A_337, %swap3A_338] {strides = array<i32>} : memref<1600x32xf32, #tpu.memory_space<vmem>>, vector<1x16xf32>,
      %swap3A_340 = vector.shape_cast %swap3A_339 : vector<1x16xf32> to vector<16xf32>
      %swap3A_341 = vector.shape_cast %max3A_336 : vector<16xf32> to vector<1x16xf32>
      tpu.vector_store %arg6[%swap3A_337, %swap3A_338], %swap3A_341 {strides = array<i32>} : memref<1600x32xf32, #tpu.memory_space<vmem>>, vector<1x16xf32>,
      %get3A_342 = arith.index_cast %scan3A_329 : i32 to index
      %get3A_343 = arith.constant 16 : index
      %get3A_344 = tpu.vector_load %arg6[%get3A_342, %get3A_343] {strides = array<i32>} : memref<1600x32xf32, #tpu.memory_space<vmem>>, vector<1x16xf32>,
      %get3A_345 = vector.shape_cast %get3A_344 : vector<1x16xf32> to vector<16xf32>
      %max3A_346 = arith.constant 0.000000e+00 : f32
      %max3A_347 = vector.broadcast %max3A_346 : f32 to vector<16xf32>
      %max3A_348 = arith.maximumf %get3A_345, %max3A_347 : vector<16xf32>
      %swap3A_349 = arith.index_cast %scan3A_329 : i32 to index
      %swap3A_350 = arith.constant 16 : index
      %swap3A_351 = tpu.vector_load %arg6[%swap3A_349, %swap3A_350] {strides = array<i32>} : memref<1600x32xf32, #tpu.memory_space<vmem>>, vector<1x16xf32>,
      %swap3A_352 = vector.shape_cast %swap3A_351 : vector<1x16xf32> to vector<16xf32>
      %swap3A_353 = vector.shape_cast %max3A_348 : vector<16xf32> to vector<1x16xf32>
      tpu.vector_store %arg6[%swap3A_349, %swap3A_350], %swap3A_353 {strides = array<i32>} : memref<1600x32xf32, #tpu.memory_space<vmem>>, vector<1x16xf32>,
    }
    %scan3A_24 = arith.constant 1600 : i32
    %dma_start3A_25 = arith.constant 0 : i32
    %dma_start3A_26 = arith.constant 0 : i32
    %dma_start3A_27 = arith.constant 0 : i32
    %dma_start3A_28 = tpu.memref_slice %arg4[%add3A, %dma_start3A_25, %dma_start3A_26, %dma_start3A_27] : memref<32x4x1600x32xf32, #tpu.memory_space<hbm>> -> memref<1x1x1600x32xf32, #tpu.memory_space<hbm>>
    %dma_start3A_29 = tpu.memref_squeeze %dma_start3A_28 : memref<1x1x1600x32xf32, #tpu.memory_space<hbm>> -> memref<1600x32xf32, #tpu.memory_space<hbm>>
    %dma_start3A_30 = arith.constant 0 : i32
    %dma_start3A_31 = arith.constant 0 : i32
    %dma_start3A_32 = tpu.memref_slice %arg4[%add3A, %dma_start3A_25, %dma_start3A_30, %dma_start3A_31] : memref<32x4x1600x32xf32, #tpu.memory_space<hbm>> -> memref<1x1x1600x32xf32, #tpu.memory_space<hbm>>
    %dma_start3A_33 = tpu.memref_squeeze %dma_start3A_32 : memref<1x1x1600x32xf32, #tpu.memory_space<hbm>> -> memref<1600x32xf32, #tpu.memory_space<hbm>>
    tpu.enqueue_dma source(%arg6 : memref<1600x32xf32, #tpu.memory_space<vmem>>) target(%dma_start3A_33 : memref<1600x32xf32, #tpu.memory_space<hbm>>) target_semaphore(%arg10 : memref<!tpu.dma_semaphore, #tpu.memory_space<semaphore_mem>>)
    %dma_wait3A_34 = arith.constant 1 : i32
    %dma_wait3A_35 = arith.constant 0 : i32
    %dma_wait3A_36 = tpu.memref_slice %arg5[%dma_wait3A_34, %dma_wait3A_35] : memref<4x1600xi32, #tpu.memory_space<vmem>> -> memref<1x1600xi32, #tpu.memory_space<vmem>>
    %dma_wait3A_37 = tpu.memref_squeeze %dma_wait3A_36 : memref<1x1600xi32, #tpu.memory_space<vmem>> -> memref<1600xi32, #tpu.memory_space<vmem>>
    %dma_wait3A_38 = arith.constant 0 : i32
    %dma_wait3A_39 = arith.constant 0 : i32
    %dma_wait3A_40 = tpu.memref_slice %arg3[%dma_wait3A_38, %dma_wait3A_39] : memref<1000000x32xf32, #tpu.memory_space<hbm>> -> memref<1000000x32xf32, #tpu.memory_space<hbm>>
    tpu.wait_indirect_dma semaphore(%arg9 : memref<!tpu.dma_semaphore, #tpu.memory_space<semaphore_mem>>) src(%dma_wait3A_40 : memref<1000000x32xf32, #tpu.memory_space<hbm>>) dst(%arg7 : memref<1600x32xf32, #tpu.memory_space<vmem>>)
    %dma_wait3A_41 = arith.constant 0 : i32
    %dma_wait3A_42 = arith.constant 0 : i32
    %dma_wait3A_43 = arith.constant 0 : i32
    %dma_wait3A_44 = tpu.memref_slice %arg4[%add3A, %dma_wait3A_41, %dma_wait3A_42, %dma_wait3A_43] : memref<32x4x1600x32xf32, #tpu.memory_space<hbm>> -> memref<1x1x1600x32xf32, #tpu.memory_space<hbm>>
    %dma_wait3A_45 = tpu.memref_squeeze %dma_wait3A_44 : memref<1x1x1600x32xf32, #tpu.memory_space<hbm>> -> memref<1600x32xf32, #tpu.memory_space<hbm>>
    %dma_wait3A_46 = arith.constant 0 : i32
    %dma_wait3A_47 = arith.constant 0 : i32
    %dma_wait3A_48 = tpu.memref_slice %arg4[%add3A, %dma_wait3A_41, %dma_wait3A_46, %dma_wait3A_47] : memref<32x4x1600x32xf32, #tpu.memory_space<hbm>> -> memref<1x1x1600x32xf32, #tpu.memory_space<hbm>>
    %dma_wait3A_49 = tpu.memref_squeeze %dma_wait3A_48 : memref<1x1x1600x32xf32, #tpu.memory_space<hbm>> -> memref<1600x32xf32, #tpu.memory_space<hbm>>
    tpu.wait_dma2 semaphore(%arg10 : memref<!tpu.dma_semaphore, #tpu.memory_space<semaphore_mem>>) src(%arg6 : memref<1600x32xf32, #tpu.memory_space<vmem>>) dst(%dma_wait3A_49 : memref<1600x32xf32, #tpu.memory_space<hbm>>)
    %dma_start3A_50 = arith.constant 2 : i32
    %dma_start3A_51 = arith.constant 0 : i32
    %dma_start3A_52 = tpu.memref_slice %arg5[%dma_start3A_50, %dma_start3A_51] : memref<4x1600xi32, #tpu.memory_space<vmem>> -> memref<1x1600xi32, #tpu.memory_space<vmem>>
    %dma_start3A_53 = tpu.memref_squeeze %dma_start3A_52 : memref<1x1600xi32, #tpu.memory_space<vmem>> -> memref<1600xi32, #tpu.memory_space<vmem>>
    %dma_start3A_54 = arith.constant 0 : i32
    %dma_start3A_55 = arith.constant 0 : i32
    %dma_start3A_56 = tpu.memref_slice %arg3[%dma_start3A_54, %dma_start3A_55] : memref<1000000x32xf32, #tpu.memory_space<hbm>> -> memref<1000000x32xf32, #tpu.memory_space<hbm>>
    tpu.enqueue_indirect_dma source(%dma_start3A_56 : memref<1000000x32xf32, #tpu.memory_space<hbm>>) target(%arg6 : memref<1600x32xf32, #tpu.memory_space<vmem>>) offsets(%dma_start3A_53 : memref<1600xi32, #tpu.memory_space<vmem>>) semaphore(%arg8 : memref<!tpu.dma_semaphore, #tpu.memory_space<semaphore_mem>>)
    %scan3A_57 = arith.constant 0 : i32
    %scan3A_58 = arith.constant 0 : i32
    %scan3A_59 = arith.constant 1600 : i32
    %scan3A_60 = arith.addi %scan3A_58, %scan3A_59 : i32
    %scan3A_61 = arith.constant 8 : i32
    scf.for %scan3A_150 = %scan3A_58 to %scan3A_60 step %scan3A_61  : i32 {
      %get3A = arith.index_cast %scan3A_150 : i32 to index
      %get3A_151 = arith.constant 0 : index
      %get3A_152 = tpu.vector_load %arg7[%get3A, %get3A_151] {strides = array<i32>} : memref<1600x32xf32, #tpu.memory_space<vmem>>, vector<1x16xf32>,
      %get3A_153 = vector.shape_cast %get3A_152 : vector<1x16xf32> to vector<16xf32>
      %max3A = arith.constant 0.000000e+00 : f32
      %max3A_154 = vector.broadcast %max3A : f32 to vector<16xf32>
      %max3A_155 = arith.maximumf %get3A_153, %max3A_154 : vector<16xf32>
      %swap3A = arith.index_cast %scan3A_150 : i32 to index
      %swap3A_156 = arith.constant 0 : index
      %swap3A_157 = tpu.vector_load %arg7[%swap3A, %swap3A_156] {strides = array<i32>} : memref<1600x32xf32, #tpu.memory_space<vmem>>, vector<1x16xf32>,
      %swap3A_158 = vector.shape_cast %swap3A_157 : vector<1x16xf32> to vector<16xf32>
      %swap3A_159 = vector.shape_cast %max3A_155 : vector<16xf32> to vector<1x16xf32>
      tpu.vector_store %arg7[%swap3A, %swap3A_156], %swap3A_159 {strides = array<i32>} : memref<1600x32xf32, #tpu.memory_space<vmem>>, vector<1x16xf32>,
      %get3A_160 = arith.index_cast %scan3A_150 : i32 to index
      %get3A_161 = arith.constant 16 : index
      %get3A_162 = tpu.vector_load %arg7[%get3A_160, %get3A_161] {strides = array<i32>} : memref<1600x32xf32, #tpu.memory_space<vmem>>, vector<1x16xf32>,
      %get3A_163 = vector.shape_cast %get3A_162 : vector<1x16xf32> to vector<16xf32>
      %max3A_164 = arith.constant 0.000000e+00 : f32
      %max3A_165 = vector.broadcast %max3A_164 : f32 to vector<16xf32>
      %max3A_166 = arith.maximumf %get3A_163, %max3A_165 : vector<16xf32>
      %swap3A_167 = arith.index_cast %scan3A_150 : i32 to index
      %swap3A_168 = arith.constant 16 : index
      %swap3A_169 = tpu.vector_load %arg7[%swap3A_167, %swap3A_168] {strides = array<i32>} : memref<1600x32xf32, #tpu.memory_space<vmem>>, vector<1x16xf32>,
      %swap3A_170 = vector.shape_cast %swap3A_169 : vector<1x16xf32> to vector<16xf32>
      %swap3A_171 = vector.shape_cast %max3A_166 : vector<16xf32> to vector<1x16xf32>
      tpu.vector_store %arg7[%swap3A_167, %swap3A_168], %swap3A_171 {strides = array<i32>} : memref<1600x32xf32, #tpu.memory_space<vmem>>, vector<1x16xf32>,
      %scan3A_172 = arith.constant 1 : i32
      %scan3A_173 = arith.addi %scan3A_150, %scan3A_172 : i32
      %get3A_174 = arith.index_cast %scan3A_173 : i32 to index
      %get3A_175 = arith.constant 0 : index
      %get3A_176 = tpu.vector_load %arg7[%get3A_174, %get3A_175] {strides = array<i32>} : memref<1600x32xf32, #tpu.memory_space<vmem>>, vector<1x16xf32>,
      %get3A_177 = vector.shape_cast %get3A_176 : vector<1x16xf32> to vector<16xf32>
      %max3A_178 = arith.constant 0.000000e+00 : f32
      %max3A_179 = vector.broadcast %max3A_178 : f32 to vector<16xf32>
      %max3A_180 = arith.maximumf %get3A_177, %max3A_179 : vector<16xf32>
      %swap3A_181 = arith.index_cast %scan3A_173 : i32 to index
      %swap3A_182 = arith.constant 0 : index
      %swap3A_183 = tpu.vector_load %arg7[%swap3A_181, %swap3A_182] {strides = array<i32>} : memref<1600x32xf32, #tpu.memory_space<vmem>>, vector<1x16xf32>,
      %swap3A_184 = vector.shape_cast %swap3A_183 : vector<1x16xf32> to vector<16xf32>
      %swap3A_185 = vector.shape_cast %max3A_180 : vector<16xf32> to vector<1x16xf32>
      tpu.vector_store %arg7[%swap3A_181, %swap3A_182], %swap3A_185 {strides = array<i32>} : memref<1600x32xf32, #tpu.memory_space<vmem>>, vector<1x16xf32>,
      %get3A_186 = arith.index_cast %scan3A_173 : i32 to index
      %get3A_187 = arith.constant 16 : index
      %get3A_188 = tpu.vector_load %arg7[%get3A_186, %get3A_187] {strides = array<i32>} : memref<1600x32xf32, #tpu.memory_space<vmem>>, vector<1x16xf32>,
      %get3A_189 = vector.shape_cast %get3A_188 : vector<1x16xf32> to vector<16xf32>
      %max3A_190 = arith.constant 0.000000e+00 : f32
      %max3A_191 = vector.broadcast %max3A_190 : f32 to vector<16xf32>
      %max3A_192 = arith.maximumf %get3A_189, %max3A_191 : vector<16xf32>
      %swap3A_193 = arith.index_cast %scan3A_173 : i32 to index
      %swap3A_194 = arith.constant 16 : index
      %swap3A_195 = tpu.vector_load %arg7[%swap3A_193, %swap3A_194] {strides = array<i32>} : memref<1600x32xf32, #tpu.memory_space<vmem>>, vector<1x16xf32>,
      %swap3A_196 = vector.shape_cast %swap3A_195 : vector<1x16xf32> to vector<16xf32>
      %swap3A_197 = vector.shape_cast %max3A_192 : vector<16xf32> to vector<1x16xf32>
      tpu.vector_store %arg7[%swap3A_193, %swap3A_194], %swap3A_197 {strides = array<i32>} : memref<1600x32xf32, #tpu.memory_space<vmem>>, vector<1x16xf32>,
      %scan3A_198 = arith.constant 2 : i32
      %scan3A_199 = arith.addi %scan3A_150, %scan3A_198 : i32
      %get3A_200 = arith.index_cast %scan3A_199 : i32 to index
      %get3A_201 = arith.constant 0 : index
      %get3A_202 = tpu.vector_load %arg7[%get3A_200, %get3A_201] {strides = array<i32>} : memref<1600x32xf32, #tpu.memory_space<vmem>>, vector<1x16xf32>,
      %get3A_203 = vector.shape_cast %get3A_202 : vector<1x16xf32> to vector<16xf32>
      %max3A_204 = arith.constant 0.000000e+00 : f32
      %max3A_205 = vector.broadcast %max3A_204 : f32 to vector<16xf32>
      %max3A_206 = arith.maximumf %get3A_203, %max3A_205 : vector<16xf32>
      %swap3A_207 = arith.index_cast %scan3A_199 : i32 to index
      %swap3A_208 = arith.constant 0 : index
      %swap3A_209 = tpu.vector_load %arg7[%swap3A_207, %swap3A_208] {strides = array<i32>} : memref<1600x32xf32, #tpu.memory_space<vmem>>, vector<1x16xf32>,
      %swap3A_210 = vector.shape_cast %swap3A_209 : vector<1x16xf32> to vector<16xf32>
      %swap3A_211 = vector.shape_cast %max3A_206 : vector<16xf32> to vector<1x16xf32>
      tpu.vector_store %arg7[%swap3A_207, %swap3A_208], %swap3A_211 {strides = array<i32>} : memref<1600x32xf32, #tpu.memory_space<vmem>>, vector<1x16xf32>,
      %get3A_212 = arith.index_cast %scan3A_199 : i32 to index
      %get3A_213 = arith.constant 16 : index
      %get3A_214 = tpu.vector_load %arg7[%get3A_212, %get3A_213] {strides = array<i32>} : memref<1600x32xf32, #tpu.memory_space<vmem>>, vector<1x16xf32>,
      %get3A_215 = vector.shape_cast %get3A_214 : vector<1x16xf32> to vector<16xf32>
      %max3A_216 = arith.constant 0.000000e+00 : f32
      %max3A_217 = vector.broadcast %max3A_216 : f32 to vector<16xf32>
      %max3A_218 = arith.maximumf %get3A_215, %max3A_217 : vector<16xf32>
      %swap3A_219 = arith.index_cast %scan3A_199 : i32 to index
      %swap3A_220 = arith.constant 16 : index
      %swap3A_221 = tpu.vector_load %arg7[%swap3A_219, %swap3A_220] {strides = array<i32>} : memref<1600x32xf32, #tpu.memory_space<vmem>>, vector<1x16xf32>,
      %swap3A_222 = vector.shape_cast %swap3A_221 : vector<1x16xf32> to vector<16xf32>
      %swap3A_223 = vector.shape_cast %max3A_218 : vector<16xf32> to vector<1x16xf32>
      tpu.vector_store %arg7[%swap3A_219, %swap3A_220], %swap3A_223 {strides = array<i32>} : memref<1600x32xf32, #tpu.memory_space<vmem>>, vector<1x16xf32>,
      %scan3A_224 = arith.constant 3 : i32
      %scan3A_225 = arith.addi %scan3A_150, %scan3A_224 : i32
      %get3A_226 = arith.index_cast %scan3A_225 : i32 to index
      %get3A_227 = arith.constant 0 : index
      %get3A_228 = tpu.vector_load %arg7[%get3A_226, %get3A_227] {strides = array<i32>} : memref<1600x32xf32, #tpu.memory_space<vmem>>, vector<1x16xf32>,
      %get3A_229 = vector.shape_cast %get3A_228 : vector<1x16xf32> to vector<16xf32>
      %max3A_230 = arith.constant 0.000000e+00 : f32
      %max3A_231 = vector.broadcast %max3A_230 : f32 to vector<16xf32>
      %max3A_232 = arith.maximumf %get3A_229, %max3A_231 : vector<16xf32>
      %swap3A_233 = arith.index_cast %scan3A_225 : i32 to index
      %swap3A_234 = arith.constant 0 : index
      %swap3A_235 = tpu.vector_load %arg7[%swap3A_233, %swap3A_234] {strides = array<i32>} : memref<1600x32xf32, #tpu.memory_space<vmem>>, vector<1x16xf32>,
      %swap3A_236 = vector.shape_cast %swap3A_235 : vector<1x16xf32> to vector<16xf32>
      %swap3A_237 = vector.shape_cast %max3A_232 : vector<16xf32> to vector<1x16xf32>
      tpu.vector_store %arg7[%swap3A_233, %swap3A_234], %swap3A_237 {strides = array<i32>} : memref<1600x32xf32, #tpu.memory_space<vmem>>, vector<1x16xf32>,
      %get3A_238 = arith.index_cast %scan3A_225 : i32 to index
      %get3A_239 = arith.constant 16 : index
      %get3A_240 = tpu.vector_load %arg7[%get3A_238, %get3A_239] {strides = array<i32>} : memref<1600x32xf32, #tpu.memory_space<vmem>>, vector<1x16xf32>,
      %get3A_241 = vector.shape_cast %get3A_240 : vector<1x16xf32> to vector<16xf32>
      %max3A_242 = arith.constant 0.000000e+00 : f32
      %max3A_243 = vector.broadcast %max3A_242 : f32 to vector<16xf32>
      %max3A_244 = arith.maximumf %get3A_241, %max3A_243 : vector<16xf32>
      %swap3A_245 = arith.index_cast %scan3A_225 : i32 to index
      %swap3A_246 = arith.constant 16 : index
      %swap3A_247 = tpu.vector_load %arg7[%swap3A_245, %swap3A_246] {strides = array<i32>} : memref<1600x32xf32, #tpu.memory_space<vmem>>, vector<1x16xf32>,
      %swap3A_248 = vector.shape_cast %swap3A_247 : vector<1x16xf32> to vector<16xf32>
      %swap3A_249 = vector.shape_cast %max3A_244 : vector<16xf32> to vector<1x16xf32>
      tpu.vector_store %arg7[%swap3A_245, %swap3A_246], %swap3A_249 {strides = array<i32>} : memref<1600x32xf32, #tpu.memory_space<vmem>>, vector<1x16xf32>,
      %scan3A_250 = arith.constant 4 : i32
      %scan3A_251 = arith.addi %scan3A_150, %scan3A_250 : i32
      %get3A_252 = arith.index_cast %scan3A_251 : i32 to index
      %get3A_253 = arith.constant 0 : index
      %get3A_254 = tpu.vector_load %arg7[%get3A_252, %get3A_253] {strides = array<i32>} : memref<1600x32xf32, #tpu.memory_space<vmem>>, vector<1x16xf32>,
      %get3A_255 = vector.shape_cast %get3A_254 : vector<1x16xf32> to vector<16xf32>
      %max3A_256 = arith.constant 0.000000e+00 : f32
      %max3A_257 = vector.broadcast %max3A_256 : f32 to vector<16xf32>
      %max3A_258 = arith.maximumf %get3A_255, %max3A_257 : vector<16xf32>
      %swap3A_259 = arith.index_cast %scan3A_251 : i32 to index
      %swap3A_260 = arith.constant 0 : index
      %swap3A_261 = tpu.vector_load %arg7[%swap3A_259, %swap3A_260] {strides = array<i32>} : memref<1600x32xf32, #tpu.memory_space<vmem>>, vector<1x16xf32>,
      %swap3A_262 = vector.shape_cast %swap3A_261 : vector<1x16xf32> to vector<16xf32>
      %swap3A_263 = vector.shape_cast %max3A_258 : vector<16xf32> to vector<1x16xf32>
      tpu.vector_store %arg7[%swap3A_259, %swap3A_260], %swap3A_263 {strides = array<i32>} : memref<1600x32xf32, #tpu.memory_space<vmem>>, vector<1x16xf32>,
      %get3A_264 = arith.index_cast %scan3A_251 : i32 to index
      %get3A_265 = arith.constant 16 : index
      %get3A_266 = tpu.vector_load %arg7[%get3A_264, %get3A_265] {strides = array<i32>} : memref<1600x32xf32, #tpu.memory_space<vmem>>, vector<1x16xf32>,
      %get3A_267 = vector.shape_cast %get3A_266 : vector<1x16xf32> to vector<16xf32>
      %max3A_268 = arith.constant 0.000000e+00 : f32
      %max3A_269 = vector.broadcast %max3A_268 : f32 to vector<16xf32>
      %max3A_270 = arith.maximumf %get3A_267, %max3A_269 : vector<16xf32>
      %swap3A_271 = arith.index_cast %scan3A_251 : i32 to index
      %swap3A_272 = arith.constant 16 : index
      %swap3A_273 = tpu.vector_load %arg7[%swap3A_271, %swap3A_272] {strides = array<i32>} : memref<1600x32xf32, #tpu.memory_space<vmem>>, vector<1x16xf32>,
      %swap3A_274 = vector.shape_cast %swap3A_273 : vector<1x16xf32> to vector<16xf32>
      %swap3A_275 = vector.shape_cast %max3A_270 : vector<16xf32> to vector<1x16xf32>
      tpu.vector_store %arg7[%swap3A_271, %swap3A_272], %swap3A_275 {strides = array<i32>} : memref<1600x32xf32, #tpu.memory_space<vmem>>, vector<1x16xf32>,
      %scan3A_276 = arith.constant 5 : i32
      %scan3A_277 = arith.addi %scan3A_150, %scan3A_276 : i32
      %get3A_278 = arith.index_cast %scan3A_277 : i32 to index
      %get3A_279 = arith.constant 0 : index
      %get3A_280 = tpu.vector_load %arg7[%get3A_278, %get3A_279] {strides = array<i32>} : memref<1600x32xf32, #tpu.memory_space<vmem>>, vector<1x16xf32>,
      %get3A_281 = vector.shape_cast %get3A_280 : vector<1x16xf32> to vector<16xf32>
      %max3A_282 = arith.constant 0.000000e+00 : f32
      %max3A_283 = vector.broadcast %max3A_282 : f32 to vector<16xf32>
      %max3A_284 = arith.maximumf %get3A_281, %max3A_283 : vector<16xf32>
      %swap3A_285 = arith.index_cast %scan3A_277 : i32 to index
      %swap3A_286 = arith.constant 0 : index
      %swap3A_287 = tpu.vector_load %arg7[%swap3A_285, %swap3A_286] {strides = array<i32>} : memref<1600x32xf32, #tpu.memory_space<vmem>>, vector<1x16xf32>,
      %swap3A_288 = vector.shape_cast %swap3A_287 : vector<1x16xf32> to vector<16xf32>
      %swap3A_289 = vector.shape_cast %max3A_284 : vector<16xf32> to vector<1x16xf32>
      tpu.vector_store %arg7[%swap3A_285, %swap3A_286], %swap3A_289 {strides = array<i32>} : memref<1600x32xf32, #tpu.memory_space<vmem>>, vector<1x16xf32>,
      %get3A_290 = arith.index_cast %scan3A_277 : i32 to index
      %get3A_291 = arith.constant 16 : index
      %get3A_292 = tpu.vector_load %arg7[%get3A_290, %get3A_291] {strides = array<i32>} : memref<1600x32xf32, #tpu.memory_space<vmem>>, vector<1x16xf32>,
      %get3A_293 = vector.shape_cast %get3A_292 : vector<1x16xf32> to vector<16xf32>
      %max3A_294 = arith.constant 0.000000e+00 : f32
      %max3A_295 = vector.broadcast %max3A_294 : f32 to vector<16xf32>
      %max3A_296 = arith.maximumf %get3A_293, %max3A_295 : vector<16xf32>
      %swap3A_297 = arith.index_cast %scan3A_277 : i32 to index
      %swap3A_298 = arith.constant 16 : index
      %swap3A_299 = tpu.vector_load %arg7[%swap3A_297, %swap3A_298] {strides = array<i32>} : memref<1600x32xf32, #tpu.memory_space<vmem>>, vector<1x16xf32>,
      %swap3A_300 = vector.shape_cast %swap3A_299 : vector<1x16xf32> to vector<16xf32>
      %swap3A_301 = vector.shape_cast %max3A_296 : vector<16xf32> to vector<1x16xf32>
      tpu.vector_store %arg7[%swap3A_297, %swap3A_298], %swap3A_301 {strides = array<i32>} : memref<1600x32xf32, #tpu.memory_space<vmem>>, vector<1x16xf32>,
      %scan3A_302 = arith.constant 6 : i32
      %scan3A_303 = arith.addi %scan3A_150, %scan3A_302 : i32
      %get3A_304 = arith.index_cast %scan3A_303 : i32 to index
      %get3A_305 = arith.constant 0 : index
      %get3A_306 = tpu.vector_load %arg7[%get3A_304, %get3A_305] {strides = array<i32>} : memref<1600x32xf32, #tpu.memory_space<vmem>>, vector<1x16xf32>,
      %get3A_307 = vector.shape_cast %get3A_306 : vector<1x16xf32> to vector<16xf32>
      %max3A_308 = arith.constant 0.000000e+00 : f32
      %max3A_309 = vector.broadcast %max3A_308 : f32 to vector<16xf32>
      %max3A_310 = arith.maximumf %get3A_307, %max3A_309 : vector<16xf32>
      %swap3A_311 = arith.index_cast %scan3A_303 : i32 to index
      %swap3A_312 = arith.constant 0 : index
      %swap3A_313 = tpu.vector_load %arg7[%swap3A_311, %swap3A_312] {strides = array<i32>} : memref<1600x32xf32, #tpu.memory_space<vmem>>, vector<1x16xf32>,
      %swap3A_314 = vector.shape_cast %swap3A_313 : vector<1x16xf32> to vector<16xf32>
      %swap3A_315 = vector.shape_cast %max3A_310 : vector<16xf32> to vector<1x16xf32>
      tpu.vector_store %arg7[%swap3A_311, %swap3A_312], %swap3A_315 {strides = array<i32>} : memref<1600x32xf32, #tpu.memory_space<vmem>>, vector<1x16xf32>,
      %get3A_316 = arith.index_cast %scan3A_303 : i32 to index
      %get3A_317 = arith.constant 16 : index
      %get3A_318 = tpu.vector_load %arg7[%get3A_316, %get3A_317] {strides = array<i32>} : memref<1600x32xf32, #tpu.memory_space<vmem>>, vector<1x16xf32>,
      %get3A_319 = vector.shape_cast %get3A_318 : vector<1x16xf32> to vector<16xf32>
      %max3A_320 = arith.constant 0.000000e+00 : f32
      %max3A_321 = vector.broadcast %max3A_320 : f32 to vector<16xf32>
      %max3A_322 = arith.maximumf %get3A_319, %max3A_321 : vector<16xf32>
      %swap3A_323 = arith.index_cast %scan3A_303 : i32 to index
      %swap3A_324 = arith.constant 16 : index
      %swap3A_325 = tpu.vector_load %arg7[%swap3A_323, %swap3A_324] {strides = array<i32>} : memref<1600x32xf32, #tpu.memory_space<vmem>>, vector<1x16xf32>,
      %swap3A_326 = vector.shape_cast %swap3A_325 : vector<1x16xf32> to vector<16xf32>
      %swap3A_327 = vector.shape_cast %max3A_322 : vector<16xf32> to vector<1x16xf32>
      tpu.vector_store %arg7[%swap3A_323, %swap3A_324], %swap3A_327 {strides = array<i32>} : memref<1600x32xf32, #tpu.memory_space<vmem>>, vector<1x16xf32>,
      %scan3A_328 = arith.constant 7 : i32
      %scan3A_329 = arith.addi %scan3A_150, %scan3A_328 : i32
      %get3A_330 = arith.index_cast %scan3A_329 : i32 to index
      %get3A_331 = arith.constant 0 : index
      %get3A_332 = tpu.vector_load %arg7[%get3A_330, %get3A_331] {strides = array<i32>} : memref<1600x32xf32, #tpu.memory_space<vmem>>, vector<1x16xf32>,
      %get3A_333 = vector.shape_cast %get3A_332 : vector<1x16xf32> to vector<16xf32>
      %max3A_334 = arith.constant 0.000000e+00 : f32
      %max3A_335 = vector.broadcast %max3A_334 : f32 to vector<16xf32>
      %max3A_336 = arith.maximumf %get3A_333, %max3A_335 : vector<16xf32>
      %swap3A_337 = arith.index_cast %scan3A_329 : i32 to index
      %swap3A_338 = arith.constant 0 : index
      %swap3A_339 = tpu.vector_load %arg7[%swap3A_337, %swap3A_338] {strides = array<i32>} : memref<1600x32xf32, #tpu.memory_space<vmem>>, vector<1x16xf32>,
      %swap3A_340 = vector.shape_cast %swap3A_339 : vector<1x16xf32> to vector<16xf32>
      %swap3A_341 = vector.shape_cast %max3A_336 : vector<16xf32> to vector<1x16xf32>
      tpu.vector_store %arg7[%swap3A_337, %swap3A_338], %swap3A_341 {strides = array<i32>} : memref<1600x32xf32, #tpu.memory_space<vmem>>, vector<1x16xf32>,
      %get3A_342 = arith.index_cast %scan3A_329 : i32 to index
      %get3A_343 = arith.constant 16 : index
      %get3A_344 = tpu.vector_load %arg7[%get3A_342, %get3A_343] {strides = array<i32>} : memref<1600x32xf32, #tpu.memory_space<vmem>>, vector<1x16xf32>,
      %get3A_345 = vector.shape_cast %get3A_344 : vector<1x16xf32> to vector<16xf32>
      %max3A_346 = arith.constant 0.000000e+00 : f32
      %max3A_347 = vector.broadcast %max3A_346 : f32 to vector<16xf32>
      %max3A_348 = arith.maximumf %get3A_345, %max3A_347 : vector<16xf32>
      %swap3A_349 = arith.index_cast %scan3A_329 : i32 to index
      %swap3A_350 = arith.constant 16 : index
      %swap3A_351 = tpu.vector_load %arg7[%swap3A_349, %swap3A_350] {strides = array<i32>} : memref<1600x32xf32, #tpu.memory_space<vmem>>, vector<1x16xf32>,
      %swap3A_352 = vector.shape_cast %swap3A_351 : vector<1x16xf32> to vector<16xf32>
      %swap3A_353 = vector.shape_cast %max3A_348 : vector<16xf32> to vector<1x16xf32>
      tpu.vector_store %arg7[%swap3A_349, %swap3A_350], %swap3A_353 {strides = array<i32>} : memref<1600x32xf32, #tpu.memory_space<vmem>>, vector<1x16xf32>,
    }
    %scan3A_62 = arith.constant 1600 : i32
    %dma_start3A_63 = arith.constant 1 : i32
    %dma_start3A_64 = arith.constant 0 : i32
    %dma_start3A_65 = arith.constant 0 : i32
    %dma_start3A_66 = tpu.memref_slice %arg4[%add3A, %dma_start3A_63, %dma_start3A_64, %dma_start3A_65] : memref<32x4x1600x32xf32, #tpu.memory_space<hbm>> -> memref<1x1x1600x32xf32, #tpu.memory_space<hbm>>
    %dma_start3A_67 = tpu.memref_squeeze %dma_start3A_66 : memref<1x1x1600x32xf32, #tpu.memory_space<hbm>> -> memref<1600x32xf32, #tpu.memory_space<hbm>>
    %dma_start3A_68 = arith.constant 0 : i32
    %dma_start3A_69 = arith.constant 0 : i32
    %dma_start3A_70 = tpu.memref_slice %arg4[%add3A, %dma_start3A_63, %dma_start3A_68, %dma_start3A_69] : memref<32x4x1600x32xf32, #tpu.memory_space<hbm>> -> memref<1x1x1600x32xf32, #tpu.memory_space<hbm>>
    %dma_start3A_71 = tpu.memref_squeeze %dma_start3A_70 : memref<1x1x1600x32xf32, #tpu.memory_space<hbm>> -> memref<1600x32xf32, #tpu.memory_space<hbm>>
    tpu.enqueue_dma source(%arg7 : memref<1600x32xf32, #tpu.memory_space<vmem>>) target(%dma_start3A_71 : memref<1600x32xf32, #tpu.memory_space<hbm>>) target_semaphore(%arg11 : memref<!tpu.dma_semaphore, #tpu.memory_space<semaphore_mem>>)
    %dma_wait3A_72 = arith.constant 2 : i32
    %dma_wait3A_73 = arith.constant 0 : i32
    %dma_wait3A_74 = tpu.memref_slice %arg5[%dma_wait3A_72, %dma_wait3A_73] : memref<4x1600xi32, #tpu.memory_space<vmem>> -> memref<1x1600xi32, #tpu.memory_space<vmem>>
    %dma_wait3A_75 = tpu.memref_squeeze %dma_wait3A_74 : memref<1x1600xi32, #tpu.memory_space<vmem>> -> memref<1600xi32, #tpu.memory_space<vmem>>
    %dma_wait3A_76 = arith.constant 0 : i32
    %dma_wait3A_77 = arith.constant 0 : i32
    %dma_wait3A_78 = tpu.memref_slice %arg3[%dma_wait3A_76, %dma_wait3A_77] : memref<1000000x32xf32, #tpu.memory_space<hbm>> -> memref<1000000x32xf32, #tpu.memory_space<hbm>>
    tpu.wait_indirect_dma semaphore(%arg8 : memref<!tpu.dma_semaphore, #tpu.memory_space<semaphore_mem>>) src(%dma_wait3A_78 : memref<1000000x32xf32, #tpu.memory_space<hbm>>) dst(%arg6 : memref<1600x32xf32, #tpu.memory_space<vmem>>)
    %dma_wait3A_79 = arith.constant 1 : i32
    %dma_wait3A_80 = arith.constant 0 : i32
    %dma_wait3A_81 = arith.constant 0 : i32
    %dma_wait3A_82 = tpu.memref_slice %arg4[%add3A, %dma_wait3A_79, %dma_wait3A_80, %dma_wait3A_81] : memref<32x4x1600x32xf32, #tpu.memory_space<hbm>> -> memref<1x1x1600x32xf32, #tpu.memory_space<hbm>>
    %dma_wait3A_83 = tpu.memref_squeeze %dma_wait3A_82 : memref<1x1x1600x32xf32, #tpu.memory_space<hbm>> -> memref<1600x32xf32, #tpu.memory_space<hbm>>
    %dma_wait3A_84 = arith.constant 0 : i32
    %dma_wait3A_85 = arith.constant 0 : i32
    %dma_wait3A_86 = tpu.memref_slice %arg4[%add3A, %dma_wait3A_79, %dma_wait3A_84, %dma_wait3A_85] : memref<32x4x1600x32xf32, #tpu.memory_space<hbm>> -> memref<1x1x1600x32xf32, #tpu.memory_space<hbm>>
    %dma_wait3A_87 = tpu.memref_squeeze %dma_wait3A_86 : memref<1x1x1600x32xf32, #tpu.memory_space<hbm>> -> memref<1600x32xf32, #tpu.memory_space<hbm>>
    tpu.wait_dma2 semaphore(%arg11 : memref<!tpu.dma_semaphore, #tpu.memory_space<semaphore_mem>>) src(%arg7 : memref<1600x32xf32, #tpu.memory_space<vmem>>) dst(%dma_wait3A_87 : memref<1600x32xf32, #tpu.memory_space<hbm>>)
    %dma_start3A_88 = arith.constant 3 : i32
    %dma_start3A_89 = arith.constant 0 : i32
    %dma_start3A_90 = tpu.memref_slice %arg5[%dma_start3A_88, %dma_start3A_89] : memref<4x1600xi32, #tpu.memory_space<vmem>> -> memref<1x1600xi32, #tpu.memory_space<vmem>>
    %dma_start3A_91 = tpu.memref_squeeze %dma_start3A_90 : memref<1x1600xi32, #tpu.memory_space<vmem>> -> memref<1600xi32, #tpu.memory_space<vmem>>
    %dma_start3A_92 = arith.constant 0 : i32
    %dma_start3A_93 = arith.constant 0 : i32
    %dma_start3A_94 = tpu.memref_slice %arg3[%dma_start3A_92, %dma_start3A_93] : memref<1000000x32xf32, #tpu.memory_space<hbm>> -> memref<1000000x32xf32, #tpu.memory_space<hbm>>
    tpu.enqueue_indirect_dma source(%dma_start3A_94 : memref<1000000x32xf32, #tpu.memory_space<hbm>>) target(%arg7 : memref<1600x32xf32, #tpu.memory_space<vmem>>) offsets(%dma_start3A_91 : memref<1600xi32, #tpu.memory_space<vmem>>) semaphore(%arg9 : memref<!tpu.dma_semaphore, #tpu.memory_space<semaphore_mem>>)
    %scan3A_95 = arith.constant 0 : i32
    %scan3A_96 = arith.constant 0 : i32
    %scan3A_97 = arith.constant 1600 : i32
    %scan3A_98 = arith.addi %scan3A_96, %scan3A_97 : i32
    %scan3A_99 = arith.constant 8 : i32
    scf.for %scan3A_150 = %scan3A_96 to %scan3A_98 step %scan3A_99  : i32 {
      %get3A = arith.index_cast %scan3A_150 : i32 to index
      %get3A_151 = arith.constant 0 : index
      %get3A_152 = tpu.vector_load %arg6[%get3A, %get3A_151] {strides = array<i32>} : memref<1600x32xf32, #tpu.memory_space<vmem>>, vector<1x16xf32>,
      %get3A_153 = vector.shape_cast %get3A_152 : vector<1x16xf32> to vector<16xf32>
      %max3A = arith.constant 0.000000e+00 : f32
      %max3A_154 = vector.broadcast %max3A : f32 to vector<16xf32>
      %max3A_155 = arith.maximumf %get3A_153, %max3A_154 : vector<16xf32>
      %swap3A = arith.index_cast %scan3A_150 : i32 to index
      %swap3A_156 = arith.constant 0 : index
      %swap3A_157 = tpu.vector_load %arg6[%swap3A, %swap3A_156] {strides = array<i32>} : memref<1600x32xf32, #tpu.memory_space<vmem>>, vector<1x16xf32>,
      %swap3A_158 = vector.shape_cast %swap3A_157 : vector<1x16xf32> to vector<16xf32>
      %swap3A_159 = vector.shape_cast %max3A_155 : vector<16xf32> to vector<1x16xf32>
      tpu.vector_store %arg6[%swap3A, %swap3A_156], %swap3A_159 {strides = array<i32>} : memref<1600x32xf32, #tpu.memory_space<vmem>>, vector<1x16xf32>,
      %get3A_160 = arith.index_cast %scan3A_150 : i32 to index
      %get3A_161 = arith.constant 16 : index
      %get3A_162 = tpu.vector_load %arg6[%get3A_160, %get3A_161] {strides = array<i32>} : memref<1600x32xf32, #tpu.memory_space<vmem>>, vector<1x16xf32>,
      %get3A_163 = vector.shape_cast %get3A_162 : vector<1x16xf32> to vector<16xf32>
      %max3A_164 = arith.constant 0.000000e+00 : f32
      %max3A_165 = vector.broadcast %max3A_164 : f32 to vector<16xf32>
      %max3A_166 = arith.maximumf %get3A_163, %max3A_165 : vector<16xf32>
      %swap3A_167 = arith.index_cast %scan3A_150 : i32 to index
      %swap3A_168 = arith.constant 16 : index
      %swap3A_169 = tpu.vector_load %arg6[%swap3A_167, %swap3A_168] {strides = array<i32>} : memref<1600x32xf32, #tpu.memory_space<vmem>>, vector<1x16xf32>,
      %swap3A_170 = vector.shape_cast %swap3A_169 : vector<1x16xf32> to vector<16xf32>
      %swap3A_171 = vector.shape_cast %max3A_166 : vector<16xf32> to vector<1x16xf32>
      tpu.vector_store %arg6[%swap3A_167, %swap3A_168], %swap3A_171 {strides = array<i32>} : memref<1600x32xf32, #tpu.memory_space<vmem>>, vector<1x16xf32>,
      %scan3A_172 = arith.constant 1 : i32
      %scan3A_173 = arith.addi %scan3A_150, %scan3A_172 : i32
      %get3A_174 = arith.index_cast %scan3A_173 : i32 to index
      %get3A_175 = arith.constant 0 : index
      %get3A_176 = tpu.vector_load %arg6[%get3A_174, %get3A_175] {strides = array<i32>} : memref<1600x32xf32, #tpu.memory_space<vmem>>, vector<1x16xf32>,
      %get3A_177 = vector.shape_cast %get3A_176 : vector<1x16xf32> to vector<16xf32>
      %max3A_178 = arith.constant 0.000000e+00 : f32
      %max3A_179 = vector.broadcast %max3A_178 : f32 to vector<16xf32>
      %max3A_180 = arith.maximumf %get3A_177, %max3A_179 : vector<16xf32>
      %swap3A_181 = arith.index_cast %scan3A_173 : i32 to index
      %swap3A_182 = arith.constant 0 : index
      %swap3A_183 = tpu.vector_load %arg6[%swap3A_181, %swap3A_182] {strides = array<i32>} : memref<1600x32xf32, #tpu.memory_space<vmem>>, vector<1x16xf32>,
      %swap3A_184 = vector.shape_cast %swap3A_183 : vector<1x16xf32> to vector<16xf32>
      %swap3A_185 = vector.shape_cast %max3A_180 : vector<16xf32> to vector<1x16xf32>
      tpu.vector_store %arg6[%swap3A_181, %swap3A_182], %swap3A_185 {strides = array<i32>} : memref<1600x32xf32, #tpu.memory_space<vmem>>, vector<1x16xf32>,
      %get3A_186 = arith.index_cast %scan3A_173 : i32 to index
      %get3A_187 = arith.constant 16 : index
      %get3A_188 = tpu.vector_load %arg6[%get3A_186, %get3A_187] {strides = array<i32>} : memref<1600x32xf32, #tpu.memory_space<vmem>>, vector<1x16xf32>,
      %get3A_189 = vector.shape_cast %get3A_188 : vector<1x16xf32> to vector<16xf32>
      %max3A_190 = arith.constant 0.000000e+00 : f32
      %max3A_191 = vector.broadcast %max3A_190 : f32 to vector<16xf32>
      %max3A_192 = arith.maximumf %get3A_189, %max3A_191 : vector<16xf32>
      %swap3A_193 = arith.index_cast %scan3A_173 : i32 to index
      %swap3A_194 = arith.constant 16 : index
      %swap3A_195 = tpu.vector_load %arg6[%swap3A_193, %swap3A_194] {strides = array<i32>} : memref<1600x32xf32, #tpu.memory_space<vmem>>, vector<1x16xf32>,
      %swap3A_196 = vector.shape_cast %swap3A_195 : vector<1x16xf32> to vector<16xf32>
      %swap3A_197 = vector.shape_cast %max3A_192 : vector<16xf32> to vector<1x16xf32>
      tpu.vector_store %arg6[%swap3A_193, %swap3A_194], %swap3A_197 {strides = array<i32>} : memref<1600x32xf32, #tpu.memory_space<vmem>>, vector<1x16xf32>,
      %scan3A_198 = arith.constant 2 : i32
      %scan3A_199 = arith.addi %scan3A_150, %scan3A_198 : i32
      %get3A_200 = arith.index_cast %scan3A_199 : i32 to index
      %get3A_201 = arith.constant 0 : index
      %get3A_202 = tpu.vector_load %arg6[%get3A_200, %get3A_201] {strides = array<i32>} : memref<1600x32xf32, #tpu.memory_space<vmem>>, vector<1x16xf32>,
      %get3A_203 = vector.shape_cast %get3A_202 : vector<1x16xf32> to vector<16xf32>
      %max3A_204 = arith.constant 0.000000e+00 : f32
      %max3A_205 = vector.broadcast %max3A_204 : f32 to vector<16xf32>
      %max3A_206 = arith.maximumf %get3A_203, %max3A_205 : vector<16xf32>
      %swap3A_207 = arith.index_cast %scan3A_199 : i32 to index
      %swap3A_208 = arith.constant 0 : index
      %swap3A_209 = tpu.vector_load %arg6[%swap3A_207, %swap3A_208] {strides = array<i32>} : memref<1600x32xf32, #tpu.memory_space<vmem>>, vector<1x16xf32>,
      %swap3A_210 = vector.shape_cast %swap3A_209 : vector<1x16xf32> to vector<16xf32>
      %swap3A_211 = vector.shape_cast %max3A_206 : vector<16xf32> to vector<1x16xf32>
      tpu.vector_store %arg6[%swap3A_207, %swap3A_208], %swap3A_211 {strides = array<i32>} : memref<1600x32xf32, #tpu.memory_space<vmem>>, vector<1x16xf32>,
      %get3A_212 = arith.index_cast %scan3A_199 : i32 to index
      %get3A_213 = arith.constant 16 : index
      %get3A_214 = tpu.vector_load %arg6[%get3A_212, %get3A_213] {strides = array<i32>} : memref<1600x32xf32, #tpu.memory_space<vmem>>, vector<1x16xf32>,
      %get3A_215 = vector.shape_cast %get3A_214 : vector<1x16xf32> to vector<16xf32>
      %max3A_216 = arith.constant 0.000000e+00 : f32
      %max3A_217 = vector.broadcast %max3A_216 : f32 to vector<16xf32>
      %max3A_218 = arith.maximumf %get3A_215, %max3A_217 : vector<16xf32>
      %swap3A_219 = arith.index_cast %scan3A_199 : i32 to index
      %swap3A_220 = arith.constant 16 : index
      %swap3A_221 = tpu.vector_load %arg6[%swap3A_219, %swap3A_220] {strides = array<i32>} : memref<1600x32xf32, #tpu.memory_space<vmem>>, vector<1x16xf32>,
      %swap3A_222 = vector.shape_cast %swap3A_221 : vector<1x16xf32> to vector<16xf32>
      %swap3A_223 = vector.shape_cast %max3A_218 : vector<16xf32> to vector<1x16xf32>
      tpu.vector_store %arg6[%swap3A_219, %swap3A_220], %swap3A_223 {strides = array<i32>} : memref<1600x32xf32, #tpu.memory_space<vmem>>, vector<1x16xf32>,
      %scan3A_224 = arith.constant 3 : i32
      %scan3A_225 = arith.addi %scan3A_150, %scan3A_224 : i32
      %get3A_226 = arith.index_cast %scan3A_225 : i32 to index
      %get3A_227 = arith.constant 0 : index
      %get3A_228 = tpu.vector_load %arg6[%get3A_226, %get3A_227] {strides = array<i32>} : memref<1600x32xf32, #tpu.memory_space<vmem>>, vector<1x16xf32>,
      %get3A_229 = vector.shape_cast %get3A_228 : vector<1x16xf32> to vector<16xf32>
      %max3A_230 = arith.constant 0.000000e+00 : f32
      %max3A_231 = vector.broadcast %max3A_230 : f32 to vector<16xf32>
      %max3A_232 = arith.maximumf %get3A_229, %max3A_231 : vector<16xf32>
      %swap3A_233 = arith.index_cast %scan3A_225 : i32 to index
      %swap3A_234 = arith.constant 0 : index
      %swap3A_235 = tpu.vector_load %arg6[%swap3A_233, %swap3A_234] {strides = array<i32>} : memref<1600x32xf32, #tpu.memory_space<vmem>>, vector<1x16xf32>,
      %swap3A_236 = vector.shape_cast %swap3A_235 : vector<1x16xf32> to vector<16xf32>
      %swap3A_237 = vector.shape_cast %max3A_232 : vector<16xf32> to vector<1x16xf32>
      tpu.vector_store %arg6[%swap3A_233, %swap3A_234], %swap3A_237 {strides = array<i32>} : memref<1600x32xf32, #tpu.memory_space<vmem>>, vector<1x16xf32>,
      %get3A_238 = arith.index_cast %scan3A_225 : i32 to index
      %get3A_239 = arith.constant 16 : index
      %get3A_240 = tpu.vector_load %arg6[%get3A_238, %get3A_239] {strides = array<i32>} : memref<1600x32xf32, #tpu.memory_space<vmem>>, vector<1x16xf32>,
      %get3A_241 = vector.shape_cast %get3A_240 : vector<1x16xf32> to vector<16xf32>
      %max3A_242 = arith.constant 0.000000e+00 : f32
      %max3A_243 = vector.broadcast %max3A_242 : f32 to vector<16xf32>
      %max3A_244 = arith.maximumf %get3A_241, %max3A_243 : vector<16xf32>
      %swap3A_245 = arith.index_cast %scan3A_225 : i32 to index
      %swap3A_246 = arith.constant 16 : index
      %swap3A_247 = tpu.vector_load %arg6[%swap3A_245, %swap3A_246] {strides = array<i32>} : memref<1600x32xf32, #tpu.memory_space<vmem>>, vector<1x16xf32>,
      %swap3A_248 = vector.shape_cast %swap3A_247 : vector<1x16xf32> to vector<16xf32>
      %swap3A_249 = vector.shape_cast %max3A_244 : vector<16xf32> to vector<1x16xf32>
      tpu.vector_store %arg6[%swap3A_245, %swap3A_246], %swap3A_249 {strides = array<i32>} : memref<1600x32xf32, #tpu.memory_space<vmem>>, vector<1x16xf32>,
      %scan3A_250 = arith.constant 4 : i32
      %scan3A_251 = arith.addi %scan3A_150, %scan3A_250 : i32
      %get3A_252 = arith.index_cast %scan3A_251 : i32 to index
      %get3A_253 = arith.constant 0 : index
      %get3A_254 = tpu.vector_load %arg6[%get3A_252, %get3A_253] {strides = array<i32>} : memref<1600x32xf32, #tpu.memory_space<vmem>>, vector<1x16xf32>,
      %get3A_255 = vector.shape_cast %get3A_254 : vector<1x16xf32> to vector<16xf32>
      %max3A_256 = arith.constant 0.000000e+00 : f32
      %max3A_257 = vector.broadcast %max3A_256 : f32 to vector<16xf32>
      %max3A_258 = arith.maximumf %get3A_255, %max3A_257 : vector<16xf32>
      %swap3A_259 = arith.index_cast %scan3A_251 : i32 to index
      %swap3A_260 = arith.constant 0 : index
      %swap3A_261 = tpu.vector_load %arg6[%swap3A_259, %swap3A_260] {strides = array<i32>} : memref<1600x32xf32, #tpu.memory_space<vmem>>, vector<1x16xf32>,
      %swap3A_262 = vector.shape_cast %swap3A_261 : vector<1x16xf32> to vector<16xf32>
      %swap3A_263 = vector.shape_cast %max3A_258 : vector<16xf32> to vector<1x16xf32>
      tpu.vector_store %arg6[%swap3A_259, %swap3A_260], %swap3A_263 {strides = array<i32>} : memref<1600x32xf32, #tpu.memory_space<vmem>>, vector<1x16xf32>,
      %get3A_264 = arith.index_cast %scan3A_251 : i32 to index
      %get3A_265 = arith.constant 16 : index
      %get3A_266 = tpu.vector_load %arg6[%get3A_264, %get3A_265] {strides = array<i32>} : memref<1600x32xf32, #tpu.memory_space<vmem>>, vector<1x16xf32>,
      %get3A_267 = vector.shape_cast %get3A_266 : vector<1x16xf32> to vector<16xf32>
      %max3A_268 = arith.constant 0.000000e+00 : f32
      %max3A_269 = vector.broadcast %max3A_268 : f32 to vector<16xf32>
      %max3A_270 = arith.maximumf %get3A_267, %max3A_269 : vector<16xf32>
      %swap3A_271 = arith.index_cast %scan3A_251 : i32 to index
      %swap3A_272 = arith.constant 16 : index
      %swap3A_273 = tpu.vector_load %arg6[%swap3A_271, %swap3A_272] {strides = array<i32>} : memref<1600x32xf32, #tpu.memory_space<vmem>>, vector<1x16xf32>,
      %swap3A_274 = vector.shape_cast %swap3A_273 : vector<1x16xf32> to vector<16xf32>
      %swap3A_275 = vector.shape_cast %max3A_270 : vector<16xf32> to vector<1x16xf32>
      tpu.vector_store %arg6[%swap3A_271, %swap3A_272], %swap3A_275 {strides = array<i32>} : memref<1600x32xf32, #tpu.memory_space<vmem>>, vector<1x16xf32>,
      %scan3A_276 = arith.constant 5 : i32
      %scan3A_277 = arith.addi %scan3A_150, %scan3A_276 : i32
      %get3A_278 = arith.index_cast %scan3A_277 : i32 to index
      %get3A_279 = arith.constant 0 : index
      %get3A_280 = tpu.vector_load %arg6[%get3A_278, %get3A_279] {strides = array<i32>} : memref<1600x32xf32, #tpu.memory_space<vmem>>, vector<1x16xf32>,
      %get3A_281 = vector.shape_cast %get3A_280 : vector<1x16xf32> to vector<16xf32>
      %max3A_282 = arith.constant 0.000000e+00 : f32
      %max3A_283 = vector.broadcast %max3A_282 : f32 to vector<16xf32>
      %max3A_284 = arith.maximumf %get3A_281, %max3A_283 : vector<16xf32>
      %swap3A_285 = arith.index_cast %scan3A_277 : i32 to index
      %swap3A_286 = arith.constant 0 : index
      %swap3A_287 = tpu.vector_load %arg6[%swap3A_285, %swap3A_286] {strides = array<i32>} : memref<1600x32xf32, #tpu.memory_space<vmem>>, vector<1x16xf32>,
      %swap3A_288 = vector.shape_cast %swap3A_287 : vector<1x16xf32> to vector<16xf32>
      %swap3A_289 = vector.shape_cast %max3A_284 : vector<16xf32> to vector<1x16xf32>
      tpu.vector_store %arg6[%swap3A_285, %swap3A_286], %swap3A_289 {strides = array<i32>} : memref<1600x32xf32, #tpu.memory_space<vmem>>, vector<1x16xf32>,
      %get3A_290 = arith.index_cast %scan3A_277 : i32 to index
      %get3A_291 = arith.constant 16 : index
      %get3A_292 = tpu.vector_load %arg6[%get3A_290, %get3A_291] {strides = array<i32>} : memref<1600x32xf32, #tpu.memory_space<vmem>>, vector<1x16xf32>,
      %get3A_293 = vector.shape_cast %get3A_292 : vector<1x16xf32> to vector<16xf32>
      %max3A_294 = arith.constant 0.000000e+00 : f32
      %max3A_295 = vector.broadcast %max3A_294 : f32 to vector<16xf32>
      %max3A_296 = arith.maximumf %get3A_293, %max3A_295 : vector<16xf32>
      %swap3A_297 = arith.index_cast %scan3A_277 : i32 to index
      %swap3A_298 = arith.constant 16 : index
      %swap3A_299 = tpu.vector_load %arg6[%swap3A_297, %swap3A_298] {strides = array<i32>} : memref<1600x32xf32, #tpu.memory_space<vmem>>, vector<1x16xf32>,
      %swap3A_300 = vector.shape_cast %swap3A_299 : vector<1x16xf32> to vector<16xf32>
      %swap3A_301 = vector.shape_cast %max3A_296 : vector<16xf32> to vector<1x16xf32>
      tpu.vector_store %arg6[%swap3A_297, %swap3A_298], %swap3A_301 {strides = array<i32>} : memref<1600x32xf32, #tpu.memory_space<vmem>>, vector<1x16xf32>,
      %scan3A_302 = arith.constant 6 : i32
      %scan3A_303 = arith.addi %scan3A_150, %scan3A_302 : i32
      %get3A_304 = arith.index_cast %scan3A_303 : i32 to index
      %get3A_305 = arith.constant 0 : index
      %get3A_306 = tpu.vector_load %arg6[%get3A_304, %get3A_305] {strides = array<i32>} : memref<1600x32xf32, #tpu.memory_space<vmem>>, vector<1x16xf32>,
      %get3A_307 = vector.shape_cast %get3A_306 : vector<1x16xf32> to vector<16xf32>
      %max3A_308 = arith.constant 0.000000e+00 : f32
      %max3A_309 = vector.broadcast %max3A_308 : f32 to vector<16xf32>
      %max3A_310 = arith.maximumf %get3A_307, %max3A_309 : vector<16xf32>
      %swap3A_311 = arith.index_cast %scan3A_303 : i32 to index
      %swap3A_312 = arith.constant 0 : index
      %swap3A_313 = tpu.vector_load %arg6[%swap3A_311, %swap3A_312] {strides = array<i32>} : memref<1600x32xf32, #tpu.memory_space<vmem>>, vector<1x16xf32>,
      %swap3A_314 = vector.shape_cast %swap3A_313 : vector<1x16xf32> to vector<16xf32>
      %swap3A_315 = vector.shape_cast %max3A_310 : vector<16xf32> to vector<1x16xf32>
      tpu.vector_store %arg6[%swap3A_311, %swap3A_312], %swap3A_315 {strides = array<i32>} : memref<1600x32xf32, #tpu.memory_space<vmem>>, vector<1x16xf32>,
      %get3A_316 = arith.index_cast %scan3A_303 : i32 to index
      %get3A_317 = arith.constant 16 : index
      %get3A_318 = tpu.vector_load %arg6[%get3A_316, %get3A_317] {strides = array<i32>} : memref<1600x32xf32, #tpu.memory_space<vmem>>, vector<1x16xf32>,
      %get3A_319 = vector.shape_cast %get3A_318 : vector<1x16xf32> to vector<16xf32>
      %max3A_320 = arith.constant 0.000000e+00 : f32
      %max3A_321 = vector.broadcast %max3A_320 : f32 to vector<16xf32>
      %max3A_322 = arith.maximumf %get3A_319, %max3A_321 : vector<16xf32>
      %swap3A_323 = arith.index_cast %scan3A_303 : i32 to index
      %swap3A_324 = arith.constant 16 : index
      %swap3A_325 = tpu.vector_load %arg6[%swap3A_323, %swap3A_324] {strides = array<i32>} : memref<1600x32xf32, #tpu.memory_space<vmem>>, vector<1x16xf32>,
      %swap3A_326 = vector.shape_cast %swap3A_325 : vector<1x16xf32> to vector<16xf32>
      %swap3A_327 = vector.shape_cast %max3A_322 : vector<16xf32> to vector<1x16xf32>
      tpu.vector_store %arg6[%swap3A_323, %swap3A_324], %swap3A_327 {strides = array<i32>} : memref<1600x32xf32, #tpu.memory_space<vmem>>, vector<1x16xf32>,
      %scan3A_328 = arith.constant 7 : i32
      %scan3A_329 = arith.addi %scan3A_150, %scan3A_328 : i32
      %get3A_330 = arith.index_cast %scan3A_329 : i32 to index
      %get3A_331 = arith.constant 0 : index
      %get3A_332 = tpu.vector_load %arg6[%get3A_330, %get3A_331] {strides = array<i32>} : memref<1600x32xf32, #tpu.memory_space<vmem>>, vector<1x16xf32>,
      %get3A_333 = vector.shape_cast %get3A_332 : vector<1x16xf32> to vector<16xf32>
      %max3A_334 = arith.constant 0.000000e+00 : f32
      %max3A_335 = vector.broadcast %max3A_334 : f32 to vector<16xf32>
      %max3A_336 = arith.maximumf %get3A_333, %max3A_335 : vector<16xf32>
      %swap3A_337 = arith.index_cast %scan3A_329 : i32 to index
      %swap3A_338 = arith.constant 0 : index
      %swap3A_339 = tpu.vector_load %arg6[%swap3A_337, %swap3A_338] {strides = array<i32>} : memref<1600x32xf32, #tpu.memory_space<vmem>>, vector<1x16xf32>,
      %swap3A_340 = vector.shape_cast %swap3A_339 : vector<1x16xf32> to vector<16xf32>
      %swap3A_341 = vector.shape_cast %max3A_336 : vector<16xf32> to vector<1x16xf32>
      tpu.vector_store %arg6[%swap3A_337, %swap3A_338], %swap3A_341 {strides = array<i32>} : memref<1600x32xf32, #tpu.memory_space<vmem>>, vector<1x16xf32>,
      %get3A_342 = arith.index_cast %scan3A_329 : i32 to index
      %get3A_343 = arith.constant 16 : index
      %get3A_344 = tpu.vector_load %arg6[%get3A_342, %get3A_343] {strides = array<i32>} : memref<1600x32xf32, #tpu.memory_space<vmem>>, vector<1x16xf32>,
      %get3A_345 = vector.shape_cast %get3A_344 : vector<1x16xf32> to vector<16xf32>
      %max3A_346 = arith.constant 0.000000e+00 : f32
      %max3A_347 = vector.broadcast %max3A_346 : f32 to vector<16xf32>
      %max3A_348 = arith.maximumf %get3A_345, %max3A_347 : vector<16xf32>
      %swap3A_349 = arith.index_cast %scan3A_329 : i32 to index
      %swap3A_350 = arith.constant 16 : index
      %swap3A_351 = tpu.vector_load %arg6[%swap3A_349, %swap3A_350] {strides = array<i32>} : memref<1600x32xf32, #tpu.memory_space<vmem>>, vector<1x16xf32>,
      %swap3A_352 = vector.shape_cast %swap3A_351 : vector<1x16xf32> to vector<16xf32>
      %swap3A_353 = vector.shape_cast %max3A_348 : vector<16xf32> to vector<1x16xf32>
      tpu.vector_store %arg6[%swap3A_349, %swap3A_350], %swap3A_353 {strides = array<i32>} : memref<1600x32xf32, #tpu.memory_space<vmem>>, vector<1x16xf32>,
    }
    %scan3A_100 = arith.constant 1600 : i32
    %dma_start3A_101 = arith.constant 2 : i32
    %dma_start3A_102 = arith.constant 0 : i32
    %dma_start3A_103 = arith.constant 0 : i32
    %dma_start3A_104 = tpu.memref_slice %arg4[%add3A, %dma_start3A_101, %dma_start3A_102, %dma_start3A_103] : memref<32x4x1600x32xf32, #tpu.memory_space<hbm>> -> memref<1x1x1600x32xf32, #tpu.memory_space<hbm>>
    %dma_start3A_105 = tpu.memref_squeeze %dma_start3A_104 : memref<1x1x1600x32xf32, #tpu.memory_space<hbm>> -> memref<1600x32xf32, #tpu.memory_space<hbm>>
    %dma_start3A_106 = arith.constant 0 : i32
    %dma_start3A_107 = arith.constant 0 : i32
    %dma_start3A_108 = tpu.memref_slice %arg4[%add3A, %dma_start3A_101, %dma_start3A_106, %dma_start3A_107] : memref<32x4x1600x32xf32, #tpu.memory_space<hbm>> -> memref<1x1x1600x32xf32, #tpu.memory_space<hbm>>
    %dma_start3A_109 = tpu.memref_squeeze %dma_start3A_108 : memref<1x1x1600x32xf32, #tpu.memory_space<hbm>> -> memref<1600x32xf32, #tpu.memory_space<hbm>>
    tpu.enqueue_dma source(%arg6 : memref<1600x32xf32, #tpu.memory_space<vmem>>) target(%dma_start3A_109 : memref<1600x32xf32, #tpu.memory_space<hbm>>) target_semaphore(%arg10 : memref<!tpu.dma_semaphore, #tpu.memory_space<semaphore_mem>>)
    %dma_wait3A_110 = arith.constant 3 : i32
    %dma_wait3A_111 = arith.constant 0 : i32
    %dma_wait3A_112 = tpu.memref_slice %arg5[%dma_wait3A_110, %dma_wait3A_111] : memref<4x1600xi32, #tpu.memory_space<vmem>> -> memref<1x1600xi32, #tpu.memory_space<vmem>>
    %dma_wait3A_113 = tpu.memref_squeeze %dma_wait3A_112 : memref<1x1600xi32, #tpu.memory_space<vmem>> -> memref<1600xi32, #tpu.memory_space<vmem>>
    %dma_wait3A_114 = arith.constant 0 : i32
    %dma_wait3A_115 = arith.constant 0 : i32
    %dma_wait3A_116 = tpu.memref_slice %arg3[%dma_wait3A_114, %dma_wait3A_115] : memref<1000000x32xf32, #tpu.memory_space<hbm>> -> memref<1000000x32xf32, #tpu.memory_space<hbm>>
    tpu.wait_indirect_dma semaphore(%arg9 : memref<!tpu.dma_semaphore, #tpu.memory_space<semaphore_mem>>) src(%dma_wait3A_116 : memref<1000000x32xf32, #tpu.memory_space<hbm>>) dst(%arg7 : memref<1600x32xf32, #tpu.memory_space<vmem>>)
    %scan3A_117 = arith.constant 0 : i32
    %scan3A_118 = arith.constant 0 : i32
    %scan3A_119 = arith.constant 1600 : i32
    %scan3A_120 = arith.addi %scan3A_118, %scan3A_119 : i32
    %scan3A_121 = arith.constant 8 : i32
    scf.for %scan3A_150 = %scan3A_118 to %scan3A_120 step %scan3A_121  : i32 {
      %get3A = arith.index_cast %scan3A_150 : i32 to index
      %get3A_151 = arith.constant 0 : index
      %get3A_152 = tpu.vector_load %arg7[%get3A, %get3A_151] {strides = array<i32>} : memref<1600x32xf32, #tpu.memory_space<vmem>>, vector<1x16xf32>,
      %get3A_153 = vector.shape_cast %get3A_152 : vector<1x16xf32> to vector<16xf32>
      %max3A = arith.constant 0.000000e+00 : f32
      %max3A_154 = vector.broadcast %max3A : f32 to vector<16xf32>
      %max3A_155 = arith.maximumf %get3A_153, %max3A_154 : vector<16xf32>
      %swap3A = arith.index_cast %scan3A_150 : i32 to index
      %swap3A_156 = arith.constant 0 : index
      %swap3A_157 = tpu.vector_load %arg7[%swap3A, %swap3A_156] {strides = array<i32>} : memref<1600x32xf32, #tpu.memory_space<vmem>>, vector<1x16xf32>,
      %swap3A_158 = vector.shape_cast %swap3A_157 : vector<1x16xf32> to vector<16xf32>
      %swap3A_159 = vector.shape_cast %max3A_155 : vector<16xf32> to vector<1x16xf32>
      tpu.vector_store %arg7[%swap3A, %swap3A_156], %swap3A_159 {strides = array<i32>} : memref<1600x32xf32, #tpu.memory_space<vmem>>, vector<1x16xf32>,
      %get3A_160 = arith.index_cast %scan3A_150 : i32 to index
      %get3A_161 = arith.constant 16 : index
      %get3A_162 = tpu.vector_load %arg7[%get3A_160, %get3A_161] {strides = array<i32>} : memref<1600x32xf32, #tpu.memory_space<vmem>>, vector<1x16xf32>,
      %get3A_163 = vector.shape_cast %get3A_162 : vector<1x16xf32> to vector<16xf32>
      %max3A_164 = arith.constant 0.000000e+00 : f32
      %max3A_165 = vector.broadcast %max3A_164 : f32 to vector<16xf32>
      %max3A_166 = arith.maximumf %get3A_163, %max3A_165 : vector<16xf32>
      %swap3A_167 = arith.index_cast %scan3A_150 : i32 to index
      %swap3A_168 = arith.constant 16 : index
      %swap3A_169 = tpu.vector_load %arg7[%swap3A_167, %swap3A_168] {strides = array<i32>} : memref<1600x32xf32, #tpu.memory_space<vmem>>, vector<1x16xf32>,
      %swap3A_170 = vector.shape_cast %swap3A_169 : vector<1x16xf32> to vector<16xf32>
      %swap3A_171 = vector.shape_cast %max3A_166 : vector<16xf32> to vector<1x16xf32>
      tpu.vector_store %arg7[%swap3A_167, %swap3A_168], %swap3A_171 {strides = array<i32>} : memref<1600x32xf32, #tpu.memory_space<vmem>>, vector<1x16xf32>,
      %scan3A_172 = arith.constant 1 : i32
      %scan3A_173 = arith.addi %scan3A_150, %scan3A_172 : i32
      %get3A_174 = arith.index_cast %scan3A_173 : i32 to index
      %get3A_175 = arith.constant 0 : index
      %get3A_176 = tpu.vector_load %arg7[%get3A_174, %get3A_175] {strides = array<i32>} : memref<1600x32xf32, #tpu.memory_space<vmem>>, vector<1x16xf32>,
      %get3A_177 = vector.shape_cast %get3A_176 : vector<1x16xf32> to vector<16xf32>
      %max3A_178 = arith.constant 0.000000e+00 : f32
      %max3A_179 = vector.broadcast %max3A_178 : f32 to vector<16xf32>
      %max3A_180 = arith.maximumf %get3A_177, %max3A_179 : vector<16xf32>
      %swap3A_181 = arith.index_cast %scan3A_173 : i32 to index
      %swap3A_182 = arith.constant 0 : index
      %swap3A_183 = tpu.vector_load %arg7[%swap3A_181, %swap3A_182] {strides = array<i32>} : memref<1600x32xf32, #tpu.memory_space<vmem>>, vector<1x16xf32>,
      %swap3A_184 = vector.shape_cast %swap3A_183 : vector<1x16xf32> to vector<16xf32>
      %swap3A_185 = vector.shape_cast %max3A_180 : vector<16xf32> to vector<1x16xf32>
      tpu.vector_store %arg7[%swap3A_181, %swap3A_182], %swap3A_185 {strides = array<i32>} : memref<1600x32xf32, #tpu.memory_space<vmem>>, vector<1x16xf32>,
      %get3A_186 = arith.index_cast %scan3A_173 : i32 to index
      %get3A_187 = arith.constant 16 : index
      %get3A_188 = tpu.vector_load %arg7[%get3A_186, %get3A_187] {strides = array<i32>} : memref<1600x32xf32, #tpu.memory_space<vmem>>, vector<1x16xf32>,
      %get3A_189 = vector.shape_cast %get3A_188 : vector<1x16xf32> to vector<16xf32>
      %max3A_190 = arith.constant 0.000000e+00 : f32
      %max3A_191 = vector.broadcast %max3A_190 : f32 to vector<16xf32>
      %max3A_192 = arith.maximumf %get3A_189, %max3A_191 : vector<16xf32>
      %swap3A_193 = arith.index_cast %scan3A_173 : i32 to index
      %swap3A_194 = arith.constant 16 : index
      %swap3A_195 = tpu.vector_load %arg7[%swap3A_193, %swap3A_194] {strides = array<i32>} : memref<1600x32xf32, #tpu.memory_space<vmem>>, vector<1x16xf32>,
      %swap3A_196 = vector.shape_cast %swap3A_195 : vector<1x16xf32> to vector<16xf32>
      %swap3A_197 = vector.shape_cast %max3A_192 : vector<16xf32> to vector<1x16xf32>
      tpu.vector_store %arg7[%swap3A_193, %swap3A_194], %swap3A_197 {strides = array<i32>} : memref<1600x32xf32, #tpu.memory_space<vmem>>, vector<1x16xf32>,
      %scan3A_198 = arith.constant 2 : i32
      %scan3A_199 = arith.addi %scan3A_150, %scan3A_198 : i32
      %get3A_200 = arith.index_cast %scan3A_199 : i32 to index
      %get3A_201 = arith.constant 0 : index
      %get3A_202 = tpu.vector_load %arg7[%get3A_200, %get3A_201] {strides = array<i32>} : memref<1600x32xf32, #tpu.memory_space<vmem>>, vector<1x16xf32>,
      %get3A_203 = vector.shape_cast %get3A_202 : vector<1x16xf32> to vector<16xf32>
      %max3A_204 = arith.constant 0.000000e+00 : f32
      %max3A_205 = vector.broadcast %max3A_204 : f32 to vector<16xf32>
      %max3A_206 = arith.maximumf %get3A_203, %max3A_205 : vector<16xf32>
      %swap3A_207 = arith.index_cast %scan3A_199 : i32 to index
      %swap3A_208 = arith.constant 0 : index
      %swap3A_209 = tpu.vector_load %arg7[%swap3A_207, %swap3A_208] {strides = array<i32>} : memref<1600x32xf32, #tpu.memory_space<vmem>>, vector<1x16xf32>,
      %swap3A_210 = vector.shape_cast %swap3A_209 : vector<1x16xf32> to vector<16xf32>
      %swap3A_211 = vector.shape_cast %max3A_206 : vector<16xf32> to vector<1x16xf32>
      tpu.vector_store %arg7[%swap3A_207, %swap3A_208], %swap3A_211 {strides = array<i32>} : memref<1600x32xf32, #tpu.memory_space<vmem>>, vector<1x16xf32>,
      %get3A_212 = arith.index_cast %scan3A_199 : i32 to index
      %get3A_213 = arith.constant 16 : index
      %get3A_214 = tpu.vector_load %arg7[%get3A_212, %get3A_213] {strides = array<i32>} : memref<1600x32xf32, #tpu.memory_space<vmem>>, vector<1x16xf32>,
      %get3A_215 = vector.shape_cast %get3A_214 : vector<1x16xf32> to vector<16xf32>
      %max3A_216 = arith.constant 0.000000e+00 : f32
      %max3A_217 = vector.broadcast %max3A_216 : f32 to vector<16xf32>
      %max3A_218 = arith.maximumf %get3A_215, %max3A_217 : vector<16xf32>
      %swap3A_219 = arith.index_cast %scan3A_199 : i32 to index
      %swap3A_220 = arith.constant 16 : index
      %swap3A_221 = tpu.vector_load %arg7[%swap3A_219, %swap3A_220] {strides = array<i32>} : memref<1600x32xf32, #tpu.memory_space<vmem>>, vector<1x16xf32>,
      %swap3A_222 = vector.shape_cast %swap3A_221 : vector<1x16xf32> to vector<16xf32>
      %swap3A_223 = vector.shape_cast %max3A_218 : vector<16xf32> to vector<1x16xf32>
      tpu.vector_store %arg7[%swap3A_219, %swap3A_220], %swap3A_223 {strides = array<i32>} : memref<1600x32xf32, #tpu.memory_space<vmem>>, vector<1x16xf32>,
      %scan3A_224 = arith.constant 3 : i32
      %scan3A_225 = arith.addi %scan3A_150, %scan3A_224 : i32
      %get3A_226 = arith.index_cast %scan3A_225 : i32 to index
      %get3A_227 = arith.constant 0 : index
      %get3A_228 = tpu.vector_load %arg7[%get3A_226, %get3A_227] {strides = array<i32>} : memref<1600x32xf32, #tpu.memory_space<vmem>>, vector<1x16xf32>,
      %get3A_229 = vector.shape_cast %get3A_228 : vector<1x16xf32> to vector<16xf32>
      %max3A_230 = arith.constant 0.000000e+00 : f32
      %max3A_231 = vector.broadcast %max3A_230 : f32 to vector<16xf32>
      %max3A_232 = arith.maximumf %get3A_229, %max3A_231 : vector<16xf32>
      %swap3A_233 = arith.index_cast %scan3A_225 : i32 to index
      %swap3A_234 = arith.constant 0 : index
      %swap3A_235 = tpu.vector_load %arg7[%swap3A_233, %swap3A_234] {strides = array<i32>} : memref<1600x32xf32, #tpu.memory_space<vmem>>, vector<1x16xf32>,
      %swap3A_236 = vector.shape_cast %swap3A_235 : vector<1x16xf32> to vector<16xf32>
      %swap3A_237 = vector.shape_cast %max3A_232 : vector<16xf32> to vector<1x16xf32>
      tpu.vector_store %arg7[%swap3A_233, %swap3A_234], %swap3A_237 {strides = array<i32>} : memref<1600x32xf32, #tpu.memory_space<vmem>>, vector<1x16xf32>,
      %get3A_238 = arith.index_cast %scan3A_225 : i32 to index
      %get3A_239 = arith.constant 16 : index
      %get3A_240 = tpu.vector_load %arg7[%get3A_238, %get3A_239] {strides = array<i32>} : memref<1600x32xf32, #tpu.memory_space<vmem>>, vector<1x16xf32>,
      %get3A_241 = vector.shape_cast %get3A_240 : vector<1x16xf32> to vector<16xf32>
      %max3A_242 = arith.constant 0.000000e+00 : f32
      %max3A_243 = vector.broadcast %max3A_242 : f32 to vector<16xf32>
      %max3A_244 = arith.maximumf %get3A_241, %max3A_243 : vector<16xf32>
      %swap3A_245 = arith.index_cast %scan3A_225 : i32 to index
      %swap3A_246 = arith.constant 16 : index
      %swap3A_247 = tpu.vector_load %arg7[%swap3A_245, %swap3A_246] {strides = array<i32>} : memref<1600x32xf32, #tpu.memory_space<vmem>>, vector<1x16xf32>,
      %swap3A_248 = vector.shape_cast %swap3A_247 : vector<1x16xf32> to vector<16xf32>
      %swap3A_249 = vector.shape_cast %max3A_244 : vector<16xf32> to vector<1x16xf32>
      tpu.vector_store %arg7[%swap3A_245, %swap3A_246], %swap3A_249 {strides = array<i32>} : memref<1600x32xf32, #tpu.memory_space<vmem>>, vector<1x16xf32>,
      %scan3A_250 = arith.constant 4 : i32
      %scan3A_251 = arith.addi %scan3A_150, %scan3A_250 : i32
      %get3A_252 = arith.index_cast %scan3A_251 : i32 to index
      %get3A_253 = arith.constant 0 : index
      %get3A_254 = tpu.vector_load %arg7[%get3A_252, %get3A_253] {strides = array<i32>} : memref<1600x32xf32, #tpu.memory_space<vmem>>, vector<1x16xf32>,
      %get3A_255 = vector.shape_cast %get3A_254 : vector<1x16xf32> to vector<16xf32>
      %max3A_256 = arith.constant 0.000000e+00 : f32
      %max3A_257 = vector.broadcast %max3A_256 : f32 to vector<16xf32>
      %max3A_258 = arith.maximumf %get3A_255, %max3A_257 : vector<16xf32>
      %swap3A_259 = arith.index_cast %scan3A_251 : i32 to index
      %swap3A_260 = arith.constant 0 : index
      %swap3A_261 = tpu.vector_load %arg7[%swap3A_259, %swap3A_260] {strides = array<i32>} : memref<1600x32xf32, #tpu.memory_space<vmem>>, vector<1x16xf32>,
      %swap3A_262 = vector.shape_cast %swap3A_261 : vector<1x16xf32> to vector<16xf32>
      %swap3A_263 = vector.shape_cast %max3A_258 : vector<16xf32> to vector<1x16xf32>
      tpu.vector_store %arg7[%swap3A_259, %swap3A_260], %swap3A_263 {strides = array<i32>} : memref<1600x32xf32, #tpu.memory_space<vmem>>, vector<1x16xf32>,
      %get3A_264 = arith.index_cast %scan3A_251 : i32 to index
      %get3A_265 = arith.constant 16 : index
      %get3A_266 = tpu.vector_load %arg7[%get3A_264, %get3A_265] {strides = array<i32>} : memref<1600x32xf32, #tpu.memory_space<vmem>>, vector<1x16xf32>,
      %get3A_267 = vector.shape_cast %get3A_266 : vector<1x16xf32> to vector<16xf32>
      %max3A_268 = arith.constant 0.000000e+00 : f32
      %max3A_269 = vector.broadcast %max3A_268 : f32 to vector<16xf32>
      %max3A_270 = arith.maximumf %get3A_267, %max3A_269 : vector<16xf32>
      %swap3A_271 = arith.index_cast %scan3A_251 : i32 to index
      %swap3A_272 = arith.constant 16 : index
      %swap3A_273 = tpu.vector_load %arg7[%swap3A_271, %swap3A_272] {strides = array<i32>} : memref<1600x32xf32, #tpu.memory_space<vmem>>, vector<1x16xf32>,
      %swap3A_274 = vector.shape_cast %swap3A_273 : vector<1x16xf32> to vector<16xf32>
      %swap3A_275 = vector.shape_cast %max3A_270 : vector<16xf32> to vector<1x16xf32>
      tpu.vector_store %arg7[%swap3A_271, %swap3A_272], %swap3A_275 {strides = array<i32>} : memref<1600x32xf32, #tpu.memory_space<vmem>>, vector<1x16xf32>,
      %scan3A_276 = arith.constant 5 : i32
      %scan3A_277 = arith.addi %scan3A_150, %scan3A_276 : i32
      %get3A_278 = arith.index_cast %scan3A_277 : i32 to index
      %get3A_279 = arith.constant 0 : index
      %get3A_280 = tpu.vector_load %arg7[%get3A_278, %get3A_279] {strides = array<i32>} : memref<1600x32xf32, #tpu.memory_space<vmem>>, vector<1x16xf32>,
      %get3A_281 = vector.shape_cast %get3A_280 : vector<1x16xf32> to vector<16xf32>
      %max3A_282 = arith.constant 0.000000e+00 : f32
      %max3A_283 = vector.broadcast %max3A_282 : f32 to vector<16xf32>
      %max3A_284 = arith.maximumf %get3A_281, %max3A_283 : vector<16xf32>
      %swap3A_285 = arith.index_cast %scan3A_277 : i32 to index
      %swap3A_286 = arith.constant 0 : index
      %swap3A_287 = tpu.vector_load %arg7[%swap3A_285, %swap3A_286] {strides = array<i32>} : memref<1600x32xf32, #tpu.memory_space<vmem>>, vector<1x16xf32>,
      %swap3A_288 = vector.shape_cast %swap3A_287 : vector<1x16xf32> to vector<16xf32>
      %swap3A_289 = vector.shape_cast %max3A_284 : vector<16xf32> to vector<1x16xf32>
      tpu.vector_store %arg7[%swap3A_285, %swap3A_286], %swap3A_289 {strides = array<i32>} : memref<1600x32xf32, #tpu.memory_space<vmem>>, vector<1x16xf32>,
      %get3A_290 = arith.index_cast %scan3A_277 : i32 to index
      %get3A_291 = arith.constant 16 : index
      %get3A_292 = tpu.vector_load %arg7[%get3A_290, %get3A_291] {strides = array<i32>} : memref<1600x32xf32, #tpu.memory_space<vmem>>, vector<1x16xf32>,
      %get3A_293 = vector.shape_cast %get3A_292 : vector<1x16xf32> to vector<16xf32>
      %max3A_294 = arith.constant 0.000000e+00 : f32
      %max3A_295 = vector.broadcast %max3A_294 : f32 to vector<16xf32>
      %max3A_296 = arith.maximumf %get3A_293, %max3A_295 : vector<16xf32>
      %swap3A_297 = arith.index_cast %scan3A_277 : i32 to index
      %swap3A_298 = arith.constant 16 : index
      %swap3A_299 = tpu.vector_load %arg7[%swap3A_297, %swap3A_298] {strides = array<i32>} : memref<1600x32xf32, #tpu.memory_space<vmem>>, vector<1x16xf32>,
      %swap3A_300 = vector.shape_cast %swap3A_299 : vector<1x16xf32> to vector<16xf32>
      %swap3A_301 = vector.shape_cast %max3A_296 : vector<16xf32> to vector<1x16xf32>
      tpu.vector_store %arg7[%swap3A_297, %swap3A_298], %swap3A_301 {strides = array<i32>} : memref<1600x32xf32, #tpu.memory_space<vmem>>, vector<1x16xf32>,
      %scan3A_302 = arith.constant 6 : i32
      %scan3A_303 = arith.addi %scan3A_150, %scan3A_302 : i32
      %get3A_304 = arith.index_cast %scan3A_303 : i32 to index
      %get3A_305 = arith.constant 0 : index
      %get3A_306 = tpu.vector_load %arg7[%get3A_304, %get3A_305] {strides = array<i32>} : memref<1600x32xf32, #tpu.memory_space<vmem>>, vector<1x16xf32>,
      %get3A_307 = vector.shape_cast %get3A_306 : vector<1x16xf32> to vector<16xf32>
      %max3A_308 = arith.constant 0.000000e+00 : f32
      %max3A_309 = vector.broadcast %max3A_308 : f32 to vector<16xf32>
      %max3A_310 = arith.maximumf %get3A_307, %max3A_309 : vector<16xf32>
      %swap3A_311 = arith.index_cast %scan3A_303 : i32 to index
      %swap3A_312 = arith.constant 0 : index
      %swap3A_313 = tpu.vector_load %arg7[%swap3A_311, %swap3A_312] {strides = array<i32>} : memref<1600x32xf32, #tpu.memory_space<vmem>>, vector<1x16xf32>,
      %swap3A_314 = vector.shape_cast %swap3A_313 : vector<1x16xf32> to vector<16xf32>
      %swap3A_315 = vector.shape_cast %max3A_310 : vector<16xf32> to vector<1x16xf32>
      tpu.vector_store %arg7[%swap3A_311, %swap3A_312], %swap3A_315 {strides = array<i32>} : memref<1600x32xf32, #tpu.memory_space<vmem>>, vector<1x16xf32>,
      %get3A_316 = arith.index_cast %scan3A_303 : i32 to index
      %get3A_317 = arith.constant 16 : index
      %get3A_318 = tpu.vector_load %arg7[%get3A_316, %get3A_317] {strides = array<i32>} : memref<1600x32xf32, #tpu.memory_space<vmem>>, vector<1x16xf32>,
      %get3A_319 = vector.shape_cast %get3A_318 : vector<1x16xf32> to vector<16xf32>
      %max3A_320 = arith.constant 0.000000e+00 : f32
      %max3A_321 = vector.broadcast %max3A_320 : f32 to vector<16xf32>
      %max3A_322 = arith.maximumf %get3A_319, %max3A_321 : vector<16xf32>
      %swap3A_323 = arith.index_cast %scan3A_303 : i32 to index
      %swap3A_324 = arith.constant 16 : index
      %swap3A_325 = tpu.vector_load %arg7[%swap3A_323, %swap3A_324] {strides = array<i32>} : memref<1600x32xf32, #tpu.memory_space<vmem>>, vector<1x16xf32>,
      %swap3A_326 = vector.shape_cast %swap3A_325 : vector<1x16xf32> to vector<16xf32>
      %swap3A_327 = vector.shape_cast %max3A_322 : vector<16xf32> to vector<1x16xf32>
      tpu.vector_store %arg7[%swap3A_323, %swap3A_324], %swap3A_327 {strides = array<i32>} : memref<1600x32xf32, #tpu.memory_space<vmem>>, vector<1x16xf32>,
      %scan3A_328 = arith.constant 7 : i32
      %scan3A_329 = arith.addi %scan3A_150, %scan3A_328 : i32
      %get3A_330 = arith.index_cast %scan3A_329 : i32 to index
      %get3A_331 = arith.constant 0 : index
      %get3A_332 = tpu.vector_load %arg7[%get3A_330, %get3A_331] {strides = array<i32>} : memref<1600x32xf32, #tpu.memory_space<vmem>>, vector<1x16xf32>,
      %get3A_333 = vector.shape_cast %get3A_332 : vector<1x16xf32> to vector<16xf32>
      %max3A_334 = arith.constant 0.000000e+00 : f32
      %max3A_335 = vector.broadcast %max3A_334 : f32 to vector<16xf32>
      %max3A_336 = arith.maximumf %get3A_333, %max3A_335 : vector<16xf32>
      %swap3A_337 = arith.index_cast %scan3A_329 : i32 to index
      %swap3A_338 = arith.constant 0 : index
      %swap3A_339 = tpu.vector_load %arg7[%swap3A_337, %swap3A_338] {strides = array<i32>} : memref<1600x32xf32, #tpu.memory_space<vmem>>, vector<1x16xf32>,
      %swap3A_340 = vector.shape_cast %swap3A_339 : vector<1x16xf32> to vector<16xf32>
      %swap3A_341 = vector.shape_cast %max3A_336 : vector<16xf32> to vector<1x16xf32>
      tpu.vector_store %arg7[%swap3A_337, %swap3A_338], %swap3A_341 {strides = array<i32>} : memref<1600x32xf32, #tpu.memory_space<vmem>>, vector<1x16xf32>,
      %get3A_342 = arith.index_cast %scan3A_329 : i32 to index
      %get3A_343 = arith.constant 16 : index
      %get3A_344 = tpu.vector_load %arg7[%get3A_342, %get3A_343] {strides = array<i32>} : memref<1600x32xf32, #tpu.memory_space<vmem>>, vector<1x16xf32>,
      %get3A_345 = vector.shape_cast %get3A_344 : vector<1x16xf32> to vector<16xf32>
      %max3A_346 = arith.constant 0.000000e+00 : f32
      %max3A_347 = vector.broadcast %max3A_346 : f32 to vector<16xf32>
      %max3A_348 = arith.maximumf %get3A_345, %max3A_347 : vector<16xf32>
      %swap3A_349 = arith.index_cast %scan3A_329 : i32 to index
      %swap3A_350 = arith.constant 16 : index
      %swap3A_351 = tpu.vector_load %arg7[%swap3A_349, %swap3A_350] {strides = array<i32>} : memref<1600x32xf32, #tpu.memory_space<vmem>>, vector<1x16xf32>,
      %swap3A_352 = vector.shape_cast %swap3A_351 : vector<1x16xf32> to vector<16xf32>
      %swap3A_353 = vector.shape_cast %max3A_348 : vector<16xf32> to vector<1x16xf32>
      tpu.vector_store %arg7[%swap3A_349, %swap3A_350], %swap3A_353 {strides = array<i32>} : memref<1600x32xf32, #tpu.memory_space<vmem>>, vector<1x16xf32>,
    }
    %scan3A_122 = arith.constant 1600 : i32
    %dma_start3A_123 = arith.constant 3 : i32
    %dma_start3A_124 = arith.constant 0 : i32
    %dma_start3A_125 = arith.constant 0 : i32
    %dma_start3A_126 = tpu.memref_slice %arg4[%add3A, %dma_start3A_123, %dma_start3A_124, %dma_start3A_125] : memref<32x4x1600x32xf32, #tpu.memory_space<hbm>> -> memref<1x1x1600x32xf32, #tpu.memory_space<hbm>>
    %dma_start3A_127 = tpu.memref_squeeze %dma_start3A_126 : memref<1x1x1600x32xf32, #tpu.memory_space<hbm>> -> memref<1600x32xf32, #tpu.memory_space<hbm>>
    %dma_start3A_128 = arith.constant 0 : i32
    %dma_start3A_129 = arith.constant 0 : i32
    %dma_start3A_130 = tpu.memref_slice %arg4[%add3A, %dma_start3A_123, %dma_start3A_128, %dma_start3A_129] : memref<32x4x1600x32xf32, #tpu.memory_space<hbm>> -> memref<1x1x1600x32xf32, #tpu.memory_space<hbm>>
    %dma_start3A_131 = tpu.memref_squeeze %dma_start3A_130 : memref<1x1x1600x32xf32, #tpu.memory_space<hbm>> -> memref<1600x32xf32, #tpu.memory_space<hbm>>
    tpu.enqueue_dma source(%arg7 : memref<1600x32xf32, #tpu.memory_space<vmem>>) target(%dma_start3A_131 : memref<1600x32xf32, #tpu.memory_space<hbm>>) target_semaphore(%arg11 : memref<!tpu.dma_semaphore, #tpu.memory_space<semaphore_mem>>)
    %dma_wait3A_132 = arith.constant 2 : i32
    %dma_wait3A_133 = arith.constant 0 : i32
    %dma_wait3A_134 = arith.constant 0 : i32
    %dma_wait3A_135 = tpu.memref_slice %arg4[%add3A, %dma_wait3A_132, %dma_wait3A_133, %dma_wait3A_134] : memref<32x4x1600x32xf32, #tpu.memory_space<hbm>> -> memref<1x1x1600x32xf32, #tpu.memory_space<hbm>>
    %dma_wait3A_136 = tpu.memref_squeeze %dma_wait3A_135 : memref<1x1x1600x32xf32, #tpu.memory_space<hbm>> -> memref<1600x32xf32, #tpu.memory_space<hbm>>
    %dma_wait3A_137 = arith.constant 0 : i32
    %dma_wait3A_138 = arith.constant 0 : i32
    %dma_wait3A_139 = tpu.memref_slice %arg4[%add3A, %dma_wait3A_132, %dma_wait3A_137, %dma_wait3A_138] : memref<32x4x1600x32xf32, #tpu.memory_space<hbm>> -> memref<1x1x1600x32xf32, #tpu.memory_space<hbm>>
    %dma_wait3A_140 = tpu.memref_squeeze %dma_wait3A_139 : memref<1x1x1600x32xf32, #tpu.memory_space<hbm>> -> memref<1600x32xf32, #tpu.memory_space<hbm>>
    tpu.wait_dma2 semaphore(%arg10 : memref<!tpu.dma_semaphore, #tpu.memory_space<semaphore_mem>>) src(%arg6 : memref<1600x32xf32, #tpu.memory_space<vmem>>) dst(%dma_wait3A_140 : memref<1600x32xf32, #tpu.memory_space<hbm>>)
    %dma_wait3A_141 = arith.constant 3 : i32
    %dma_wait3A_142 = arith.constant 0 : i32
    %dma_wait3A_143 = arith.constant 0 : i32
    %dma_wait3A_144 = tpu.memref_slice %arg4[%add3A, %dma_wait3A_141, %dma_wait3A_142, %dma_wait3A_143] : memref<32x4x1600x32xf32, #tpu.memory_space<hbm>> -> memref<1x1x1600x32xf32, #tpu.memory_space<hbm>>
    %dma_wait3A_145 = tpu.memref_squeeze %dma_wait3A_144 : memref<1x1x1600x32xf32, #tpu.memory_space<hbm>> -> memref<1600x32xf32, #tpu.memory_space<hbm>>
    %dma_wait3A_146 = arith.constant 0 : i32
    %dma_wait3A_147 = arith.constant 0 : i32
    %dma_wait3A_148 = tpu.memref_slice %arg4[%add3A, %dma_wait3A_141, %dma_wait3A_146, %dma_wait3A_147] : memref<32x4x1600x32xf32, #tpu.memory_space<hbm>> -> memref<1x1x1600x32xf32, #tpu.memory_space<hbm>>
    %dma_wait3A_149 = tpu.memref_squeeze %dma_wait3A_148 : memref<1x1x1600x32xf32, #tpu.memory_space<hbm>> -> memref<1600x32xf32, #tpu.memory_space<hbm>>
    tpu.wait_dma2 semaphore(%arg11 : memref<!tpu.dma_semaphore, #tpu.memory_space<semaphore_mem>>) src(%arg7 : memref<1600x32xf32, #tpu.memory_space<vmem>>) dst(%dma_wait3A_149 : memref<1600x32xf32, #tpu.memory_space<hbm>>)
    return
  }
}

</mosaic_0001>

<sc_bundles>
// kernel: kernel.3.cloned.1.call-start
scs
__scs_entry_jumppad:
0x0: {  	(pc) =	sbr.rel $0x88, $3  }
0x1: {  	(tag) =	ssettag $0x0;
	lr =	simm.s32 $0x1  }
0x2: {  	[smem:$0x3F9F] =	sst lr;
	_ =	strace $0xD0000000  }
0x3: {  	_ = 	snop  }
0x4: {  	_ = 	snop  }
0x5: {  	_ = 	snop  }
0x6: {  	_ = 	snop  }
0x7: {  	_ = 	snop  }
__scs_overlays_trampoline_lowered:
0x8: {  	[smem:$0x3FAE] =	sst s0  }
0x9: {  	[smem:$0x3FAF] =	sst s1  }
0xa: {  	[smem:$0x3FB0] =	sst s2  }
0xb: {  	[smem:$0x3FB1] =	sst s3  }
0xc: {  	[smem:$0x3FB2] =	sst s4  }
0xd: {  	[smem:$0x3FB3] =	sst s5  }
0xe: {  	[smem:$0x3FB4] =	sst s6  }
0xf: {  	[smem:$0x3FB5] =	sst s7  }
0x10: {  	[smem:$0x3FB6] =	sst s8  }
0x11: {  	[smem:$0x3FB7] =	sst s9;
	s0 =	simm.s32 @!p0 $0x0  }
0x12: {  	s1 =	sld [smem:$0x3F9D];
	s0 =	simm.s32 @p0 $0x1  }
0x13: {  	[smem:$0x3FB8] =	sst s0;
	s0 =	simm.s32 @!p1 $0x0  }
0x14: {  	s2 =	sld [smem:$0x3F9C];
	s0 =	simm.s32 @p1 $0x1  }
0x15: {  	[smem:$0x3FB9] =	sst s0;
	s0 =	simm.s32 @!p2 $0x0  }
0x16: {  	s3 =	sld [smem:$0x3FDB];
	s0 =	simm.s32 @p2 $0x1  }
0x17: {  	s4 =	simm.s32 $0x1BF5;
	[smem:$0x3FBB] =	sst s0  }
0x18: {  	s0 =	sld [smem:$0x3F9E];
	_ =	swait.ge [sflag:s4], $0x0  }
0x19: {  	s7 =	sld [smem:$0x3F9F]  }
0x1a: {  	s8 =	sadd.s32 $0xFFFFE003, lr  }
0x1b: {  	s9 =	sadd.s32 $0xFFFFFEF7, lr;
	s5 =	simm.s32 $0xFFFFFFFF;
	p2 =	slt.u32 s8, $0xFFFFF086  }
0x1c: {  	p1 =	slt.u32 s9, $0xF7A;
	s5 =	simm.s32 @!p2 $0x0  }
0x1d: {  	s5 =	simm.s32 @p1 $0x1;
	p0 =	seq.s32 s7, s2  }
0x1e: {  	s7 =	smul.u32 @!p0 $0xF7A, s2;
	p2 =	seq.s32 @!p0 s5, $0x0  }
0x1f: {  	s9 =	smul.u32 $0xF7A, s1;
	s8 =	simm.s32 @!p0 $0x1BF5;
	p2 =	por !p2, p0  }
0x20: {  	[sflag:s8] =	ssyncset.s32 @!p0 $0xFFFFF086;
	s6 =	sadd.s32 @!p0 s3, s7;
	s7 =	simm.s32 @!p0 $0x108  }
0x21: {  	s3 =	sadd.s32 s3, s9;
	s6 =	sadd.s32 @!p0 $0x88, s6;
	s7 =	simm.s32 @p2 $0x1082  }
0x22: {  	[simem:s7], [sflag:s8] =	dma.local @!p0 [hbm:s6], $0xF7A  }
0x23: {  	s9 =	sor.u32 $0xD0000000, s2;
	s6 =	simm.s32 $0x108;
	_ =	swait.ge @!p0 [sflag:s8], $0x0  }
0x24: {  	s3 =	sadd.s32 $0x88, s3;
	s6 =	simm.s32 @!p1 $0x1082;
	[sflag:s4] =	ssyncset.s32 $0xFFFFF086  }
0x25: {  	[simem:s6], [sflag:s4] =	dma.local [hbm:s3], $0xF7A  }
0x26: {  	[smem:$0x3F9F] =	sst s1;
	(tag) =	ssettag s2;
	_ =	strace s9  }
0x27: {  	s1 =	sld [smem:$0x3FAF]  }
0x28: {  	s2 =	sld [smem:$0x3FB0]  }
0x29: {  	s4 =	sld [smem:$0x3FB2]  }
0x2a: {  	p0 =	seq.s32 s5, $0x0;
	s5 =	sld [smem:$0x3FB3]  }
0x2b: {  	s6 =	sld [smem:$0x3FB4]  }
0x2c: {  	s7 =	sld [smem:$0x3FB5]  }
0x2d: {  	s3 =	simm.s32 $0x108;
	s8 =	sld [smem:$0x3FB6]  }
0x2e: {  	s3 =	simm.s32 @!p0 $0x1082;
	s9 =	sld [smem:$0x3FB7]  }
0x2f: {  	lr =	sadd.s32 s0, s3;
	s0 =	sld [smem:$0x3FAE]  }
0x30: {  	s3 =	sld [smem:$0x3FB1]  }
0x31: {  	[smem:$0x3FBA] =	sst s10  }
0x32: {  	s10 =	sld [smem:$0x3FB8];
	_ =	sdelay $0x3  }
0x33: {  	p0 =	seq.s32 s10, $0x1;
	s10 =	sld [smem:$0x3FBA];
	_ =	sdelay $0x3  }
0x34: {  	[smem:$0x3FBA] =	sst s10  }
0x35: {  	s10 =	sld [smem:$0x3FB9];
	_ =	sdelay $0x3  }
0x36: {  	p1 =	seq.s32 s10, $0x1;
	s10 =	sld [smem:$0x3FBA];
	_ =	sdelay $0x3  }
0x37: {  	[smem:$0x3FBA] =	sst s10  }
0x38: {  	s10 =	sld [smem:$0x3FBB]  }
0x39: {  	_ = 	snop;
	(pc) =	sbr.ind lr, $3  }
0x3a: {  	_ = 	snop  }
0x3b: {  	_ = 	snop  }
0x3c: {  	p2 =	seq.s32 s10, $0x1;
	s10 =	sld [smem:$0x3FBA]  }
0x3d: {  	_ =	shalt  }
0x3e: {  	_ =	shalt  }
0x3f: {  	_ =	shalt  }
0x40: {  	_ =	shalt  }
0x41: {  	_ =	shalt  }
0x42: {  	_ =	shalt  }
0x43: {  	_ =	shalt  }
0x44: {  	_ =	shalt  }
0x45: {  	_ =	shalt  }
0x46: {  	_ =	shalt  }
0x47: {  	_ =	shalt  }
0x48: {  	_ =	shalt  }
0x49: {  	_ =	shalt  }
0x4a: {  	_ =	shalt  }
0x4b: {  	_ =	shalt  }
0x4c: {  	_ =	shalt  }
0x4d: {  	_ =	shalt  }
0x4e: {  	_ =	shalt  }
0x4f: {  	_ =	shalt  }
0x50: {  	_ =	shalt  }
0x51: {  	_ =	shalt  }
0x52: {  	_ =	shalt  }
0x53: {  	_ =	shalt  }
0x54: {  	_ =	shalt  }
0x55: {  	_ =	shalt  }
0x56: {  	_ =	shalt  }
0x57: {  	_ =	shalt  }
0x58: {  	_ =	shalt  }
0x59: {  	_ =	shalt  }
0x5a: {  	_ =	shalt  }
0x5b: {  	_ =	shalt  }
0x5c: {  	_ =	shalt  }
0x5d: {  	_ =	shalt  }
0x5e: {  	_ =	shalt  }
0x5f: {  	_ =	shalt  }
0x60: {  	_ =	shalt  }
0x61: {  	_ =	shalt  }
0x62: {  	_ =	shalt  }
0x63: {  	_ =	shalt  }
0x64: {  	_ =	shalt  }
0x65: {  	_ =	shalt  }
0x66: {  	_ =	shalt  }
0x67: {  	_ =	shalt  }
0x68: {  	_ =	shalt  }
0x69: {  	_ =	shalt  }
0x6a: {  	_ =	shalt  }
0x6b: {  	_ =	shalt  }
0x6c: {  	_ =	shalt  }
0x6d: {  	_ =	shalt  }
0x6e: {  	_ =	shalt  }
0x6f: {  	_ =	shalt  }
0x70: {  	_ =	shalt  }
0x71: {  	_ =	shalt  }
0x72: {  	_ =	shalt  }
0x73: {  	_ =	shalt  }
0x74: {  	_ =	shalt  }
0x75: {  	_ =	shalt  }
0x76: {  	_ =	shalt  }
0x77: {  	_ =	shalt  }
0x78: {  	_ =	shalt  }
0x79: {  	_ =	shalt  }
0x7a: {  	_ =	shalt  }
0x7b: {  	_ =	shalt  }
0x7c: {  	_ =	shalt  }
0x7d: {  	_ =	shalt  }
0x7e: {  	_ =	shalt  }
0x7f: {  	_ =	shalt  }
0x80: {  	_ =	shalt  }
0x81: {  	_ =	shalt  }
0x82: {  	_ =	shalt  }
0x83: {  	_ =	shalt  }
0x84: {  	_ =	shalt  }
0x85: {  	_ =	shalt  }
0x86: {  	_ =	shalt  }
0x87: {  	_ =	shalt  }
.Lfunc_end0:
.L_simem_size_0:
called_computation.1_lowered:
.L_overlay_start_0:
0x88: {  	s2 =	sld [smem:$0x3FD9]  }
0x89: {  	s3 =	sld [smem:$0x3FFE];
	_ =	sdelay $0x1  }
0x8a: {  	s1 =	srdreg.scid  }
0x8b: {  	s0 =	sand.u32 $0x1, s1  }
0x8c: {  	s17 =	sshll.u32 s0, $0xA;
	s2 =	sadd.s32 s3, s2  }
0x8d: {  	s2 =	sadd.s32 s2, s17  }
0x8e: {  	[smem:$0x3FC6] =	sst s2  }
0x8f: {  	_ = 	snop  }
0x90: {  	s2 =	sld [smem:$0x3FD0];
	(tm) =	ssettm $0x1  }
0x91: {  	s18 =	sld [smem:$0x3FFB];
	_ =	sdelay $0x3  }
0x92: {  	_ =	strace s18  }
0x93: {  	s3 =	sld [smem:$0x3FFC];
	_ =	sdelay $0x3  }
0x94: {  	_ =	strace s3  }
0x95: {  	s3 =	sld [smem:$0x3FFD];
	_ =	sdelay $0x3  }
0x96: {  	_ =	strace s3  }
0x97: {  	_ =	strace $0x8FFFFFFF  }
0x98: {  	s19 =	sld [smem:$0x3FDB];
	_ =	sdelay $0x1  }
0x99: {  	s4 =	simm.s32 $_scs_section_size  }
0x9a: {  	s5 =	simm.s32 $_size__tile_overlayer_lowered;
	s6 =	simm.s32 $_tile_overlayer_lowered  }
0x9b: {  	s22 =	simm.s32 $0x1BFF;
	s21 =	sshll.u32 s6, $0x1;
	s3 =	sadd.s32 s4, s19  }
0x9c: {  	s7 =	simm.s32 $0x0;
	s20 =	sshll.u32 s5, $0x1;
	s5 =	sadd.s32 s21, s3  }
0x9d: {  	[timem:s7], [sflag:s22] =	dma.local [hbm:s5], s20  }
0x9e: {  	_ =	swait.ge [sflag:s22], s20  }
0x9f: {  	s4 =	ssub.s32 $0x0, s20;
	[sflag:s22] =	ssyncset.done $0x0  }
0xa0: {  	[sflag:s22] =	ssyncadd.s32 s4;
	_ =	sdelay $0x1  }
0xa1: {  	s23 =	simm.s32 $0x1B8B  }
0xa2: {  	_ =	swait.ge [sflag:s23], $0x1  }
0xa3: {  	[sflag:s23] =	ssyncset.done $0x0  }
0xa4: {  	s25 =	simm.s32 $0x1B8E;
	s24 =	sld [smem:$0x3FFE];
	[sflag:s23] =	ssyncadd.s32 $0xFFFFFFFF  }
0xa5: {  	s26 =	simm.s32 $execute0_lowered;
	[smem:$0x3FD2] =	sst s25  }
0xa6: {  	s5 =	sshll.u32 s26, $0x1;
	_ =	strace $0x80000049;
	[dreg:$0x1] =	wrdreg $0xFFFFFFFF  }
0xa7: {  	s28 =	simm.s32 $_size_execute0_lowered;
	s3 =	sadd.s32 s3, s5;
	[dreg:$0x0] =	wrdreg $0x0  }
0xa8: {  	s5 =	sshll.u32 s28, $0x1;
	[dreg:$0x2] =	wrdreg s3  }
0xa9: {  	[dreg:$0x3] =	wrdreg s5  }
0xaa: {  	[dreg:$0x4] =	wrdreg $0xC0  }
0xab: {  	_ =	task [dreg:s7], $0x5FFFF  }
0xac: {  	[dreg:$0x1] =	wrdreg $0xFFFFFFFF  }
0xad: {  	[dreg:$0x0] =	wrdreg $0x60  }
0xae: {  	[dreg:$0x2] =	wrdreg s24  }
0xaf: {  	[dreg:$0x3] =	wrdreg s2  }
0xb0: {  	[dreg:$0x4] =	wrdreg $0x9  }
0xb1: {  	_ =	task.clear_ibuf [dreg:s7], $0x5FFFF;
	_ =	strace $0x90000049  }
0xb2: {  	s29 =	simm.s32 $0x9;
	_ =	strace $0x8000004B  }
0xb3: {  	_ =	swait.ge [sflag:s29], $0x1  }
0xb4: {  	[sflag:s29] =	ssyncadd.s32 $0xFFFFFFFF  }
0xb5: {  	_ =	strace $0x9000004B  }
0xb6: {  	_ =	sfence  }
0xb7: {  	s30 =	sld [smem:$0x0];
	_ =	sdelay $0x2  }
0xb8: {  	s31 =	sshll.u32 s1, $0xD;
	s1 =	sshrl.u32 s1, $0x2  }
0xb9: {  	s3 =	sand.u32 $0x4000, s31;
	s1 =	sadd.s32 s1, s30  }
0xba: {  	s0 =	sor.u32 s3, s0;
	s1 =	sshll.u32 s1, $0x11  }
0xbb: {  	s0 =	sor.u32 s1, s0  }
0xbc: {  	s0 =	sadd.s32 $0x8F2B, s0  }
0xbd: {  	[sflag:s0] =	ssyncadd.remote.s32 $0x1  }
0xbe: {  	_ =	sfence.sel $0xFFFF  }
0xbf: {  	[dreg:$0x0] =	wrdreg $0xFFFFFFFF;
	(pc) =	sbr.abs _section_cstart, $3  }
0xc0: {  	[dreg:$0x1] =	wrdreg $0xFFFFFFFF  }
0xc1: {  	_ =	task.clear_ibuf [dreg:s7], $0x2FFFF;
	_ =	strace $0x9FFFFFFF  }
0xc2: {  	(tm) =	ssettm $0x7FFFFFFF  }
0xc3: {  	_ =	shalt  }
tec
execute0_lowered:
.L_overlay_start_1:
0x0: {  	(tag) =	ssettag $0x1  }
0x1: {  	s1 =	srdreg.scid  }
0x2: {  	s0 =	stileid.u32;
	s3 =	rddreg [dreg:$0x0]  }
0x3: {  	s5 =	rddreg [dreg:$0x1];
	s2 =	simm.s32 $0x0;
	s10 =	simm.s32 $0x5  }
0x4: {  	s11 =	simm.s32 $0x640;
	s12 =	simm.s32 $0x1900;
	s13 =	simm.s32 $0x1  }
0x5: {  	s14 =	simm.s32 $0xE100;
	s15 =	simm.s32 $0x2;
	s16 =	simm.s32 $0x3  }
0x6: {  	s17 =	simm.s32 $0xC80;
	s4 =	sand.u32 $0x1, s1;
	s31 =	sshll.u32 s0, $0x1  }
0x7: {  	s18 =	simm.s32 $0x4;
	s19 =	simm.s32 $0x12C0;
	s6 =	sor.u32 s4, s31  }
0x8: {  	s20 =	simm.s32 $0x0;
	s4 =	ssub.s32 $0x2, s4;
	s7 =	smul.u32 $0x320, s6  }
0x9: {  	[smem:$0x7FF] =	sst s2;
	s6 =	smul.u32 $0x32000, s6;
	s8 =	sshrl.u32 s4, $0x1  }
0xa: {  	s1 =	rddreg [dreg:$0x2];
	_ =	strace $0x8000004A;
	s9 =	ssub.s32 s4, s8  }
0xb: {  	s7 =	sadd.s32 s7, s3;
	s3 =	sadd.s32 $0xA00, s3;
	s6 =	sshrl.u32 s6, $0x3  }
0xc: {  	s9 =	smax.u32 s9, $0x1;
	s4 =	sadd.s32 $0x1313800, s7;
	s5 =	sadd.s32 s5, s6  }
0xd: {  	s6 =	sadd.s32 $0x1900, s5;
	s7 =	sadd.s32 $0x3200, s5;
	s8 =	sadd.s32 $0x4B00, s5  }
.LBB2_1:
0xe: {  	[tilespmem:s2], [sflag:$0x5] =	stream.linear.gather [hbm4b:s4+s2], $0x1900, $0x38;
	[tilespmem:$0x1A900] =	vst v63  }
0xf: {  	_ =	swait.ge [sflag:s10], $0x1900  }
0x10: {  	[sflag:s10] =	ssyncset.done $0x0  }
0x11: {  	[sflag:s10] =	ssyncadd.s32 $0xFFFFE700  }
0x12: {  	[tilespmem:s12], [sflag:$0x1] =	stream.indirect.gather [hbm4b:s3+s11], $0x20, s2, s11, $0xb8;
	[tilespmem:$0x1A900] =	vst v63  }
0x13: {  	_ =	swait.ge [sflag:s13], $0xC800  }
0x14: {  	[sflag:s13] =	ssyncset.done $0x0  }
0x15: {  	s21 =	simm.s32 $0x1980;
	[sflag:s13] =	ssyncadd.s32 $0xFFFF3800  }
0x16: {  	[tilespmem:s14], [sflag:$0x2] =	stream.indirect.gather [hbm4b:s3+s11], $0x20, s11, s11, $0xb8;
	[tilespmem:$0x1A900] =	vst v63  }
0x17: {  	v0 =	vld [tilespmem:s21+$0xFFFFFF80]  }
0x18: {  	v1 =	vld [tilespmem:s21+$0xFFFFFF90]  }
0x19: {  	v2 =	vld [tilespmem:s21+$0xFFFFFFA0]  }
0x1a: {  	v3 =	vld [tilespmem:s21+$0xFFFFFFB0]  }
0x1b: {  	v4 =	vld [tilespmem:s21+$0xFFFFFFC0]  }
0x1c: {  	v5 =	vld [tilespmem:s21+$0xFFFFFFD0];
	v0 =	vmax.f32 v0, $0.0e+00  }
0x1d: {  	[tilespmem:s21+$0xFFFFFF80] =	vst v0;
	v0 =	vmax.f32 v1, $0.0e+00;
	v1 =	vld [tilespmem:s21+$0xFFFFFFE0]  }
0x1e: {  	[tilespmem:s21+$0xFFFFFF90] =	vst v0;
	v0 =	vmax.f32 v2, $0.0e+00;
	v2 =	vld [tilespmem:s21+$0x0]  }
0x1f: {  	[tilespmem:s21+$0xFFFFFFA0] =	vst v0;
	v0 =	vmax.f32 v3, $0.0e+00;
	v3 =	vld [tilespmem:s21+$0x10]  }
0x20: {  	[tilespmem:s21+$0xFFFFFFB0] =	vst v0;
	v0 =	vmax.f32 v4, $0.0e+00;
	v4 =	vld [tilespmem:s21+$0x20]  }
0x21: {  	[tilespmem:s21+$0xFFFFFFC0] =	vst v0;
	v0 =	vmax.f32 v5, $0.0e+00;
	v5 =	vld [tilespmem:s21+$0x30]  }
0x22: {  	[tilespmem:s21+$0xFFFFFFD0] =	vst v0;
	v1 =	vmax.f32 v1, $0.0e+00;
	v0 =	vld [tilespmem:s21+$0x40]  }
0x23: {  	[tilespmem:s21+$0xFFFFFFE0] =	vst v1;
	v2 =	vmax.f32 v2, $0.0e+00;
	v1 =	vld [tilespmem:s21+$0x50]  }
0x24: {  	[tilespmem:s21+$0x0] =	vst v2;
	v3 =	vmax.f32 v3, $0.0e+00;
	v2 =	vld [tilespmem:s21+$0x60]  }
0x25: {  	[tilespmem:s21+$0x10] =	vst v3;
	v6 =	vmax.f32 v4, $0.0e+00;
	v4 =	vld [tilespmem:s21+$0x70]  }
0x26: {  	s22 =	simm.s32 $0x0;
	s23 =	simm.s32 $0x1A80;
	v3 =	vld [tilespmem:s21+$0xFFFFFFF0];
	[tilespmem:s21+$0x20] =	vst v6;
	v5 =	vmax.f32 v5, $0.0e+00  }
.LBB2_2:
0x27: {  	v6 =	vld [tilespmem:s23+$0xFFFFFF80];
	[tilespmem:s21+$0x30] =	vst v5;
	v0 =	vmax.f32 v0, $0.0e+00  }
0x28: {  	v5 =	vld [tilespmem:s23+$0xFFFFFF90];
	[tilespmem:s21+$0x40] =	vst v0;
	v0 =	vmax.f32 v1, $0.0e+00  }
0x29: {  	v1 =	vld [tilespmem:s23+$0xFFFFFFA0];
	[tilespmem:s21+$0x50] =	vst v0;
	v0 =	vmax.f32 v2, $0.0e+00  }
0x2a: {  	v2 =	vld [tilespmem:s23+$0xFFFFFFB0];
	[tilespmem:s21+$0x60] =	vst v0;
	v0 =	vmax.f32 v4, $0.0e+00  }
0x2b: {  	v4 =	vld [tilespmem:s23+$0xFFFFFFC0];
	v3 =	vmax.f32 v3, $0.0e+00;
	[tilespmem:s21+$0x70] =	vst v0  }
0x2c: {  	v0 =	vmax.f32 v6, $0.0e+00;
	v6 =	vld [tilespmem:s23+$0xFFFFFFD0];
	[tilespmem:s21+$0xFFFFFFF0] =	vst v3;
	s21 =	smov.u32 s23  }
0x2d: {  	[tilespmem:s23+$0xFFFFFF80] =	vst v0;
	v0 =	vmax.f32 v5, $0.0e+00;
	v3 =	vld [tilespmem:s23+$0xFFFFFFE0]  }
0x2e: {  	[tilespmem:s23+$0xFFFFFF90] =	vst v0;
	v0 =	vmax.f32 v1, $0.0e+00;
	v1 =	vld [tilespmem:s23+$0x0]  }
0x2f: {  	[tilespmem:s23+$0xFFFFFFA0] =	vst v0;
	v0 =	vmax.f32 v2, $0.0e+00;
	v2 =	vld [tilespmem:s23+$0x10]  }
0x30: {  	s22 =	sadd.s32 $0x8, s22;
	[tilespmem:s23+$0xFFFFFFB0] =	vst v0;
	v0 =	vmax.f32 v4, $0.0e+00;
	v4 =	vld [tilespmem:s23+$0x20]  }
0x31: {  	p0 =	slt.u32 s22, $0x638;
	[tilespmem:s23+$0xFFFFFFC0] =	vst v0;
	v0 =	vmax.f32 v6, $0.0e+00;
	v5 =	vld [tilespmem:s23+$0x30]  }
.Ltmp0:
0x32: {  	[tilespmem:s23+$0xFFFFFFD0] =	vst v0;
	v3 =	vmax.f32 v3, $0.0e+00;
	v0 =	vld [tilespmem:s23+$0x40];
	(pc) =	sbr.rel @p0 .LBB2_2-.Ltmp0, $4  }
0x33: {  	[tilespmem:s23+$0xFFFFFFE0] =	vst v3;
	v3 =	vmax.f32 v1, $0.0e+00;
	v1 =	vld [tilespmem:s23+$0x50]  }
0x34: {  	[tilespmem:s23+$0x0] =	vst v3;
	v3 =	vmax.f32 v2, $0.0e+00;
	v2 =	vld [tilespmem:s23+$0x60]  }
0x35: {  	[tilespmem:s23+$0x10] =	vst v3;
	v6 =	vmax.f32 v4, $0.0e+00;
	v4 =	vld [tilespmem:s23+$0x70]  }
0x36: {  	s23 =	sadd.s32 $0x100, s23;
	v3 =	vld [tilespmem:s21+$0xFFFFFFF0];
	[tilespmem:s21+$0x20] =	vst v6;
	v5 =	vmax.f32 v5, $0.0e+00  }
0x37: {  	[tilespmem:s21+$0x30] =	vst v5;
	v0 =	vmax.f32 v0, $0.0e+00  }
0x38: {  	[tilespmem:s21+$0x40] =	vst v0;
	v0 =	vmax.f32 v1, $0.0e+00  }
0x39: {  	[tilespmem:s21+$0x50] =	vst v0;
	v0 =	vmax.f32 v2, $0.0e+00  }
0x3a: {  	[tilespmem:s21+$0x60] =	vst v0;
	v0 =	vmax.f32 v4, $0.0e+00  }
0x3b: {  	v1 =	vmax.f32 v3, $0.0e+00;
	[tilespmem:s21+$0x70] =	vst v0  }
0x3c: {  	[tilespmem:s21+$0xFFFFFFF0] =	vst v1  }
0x3d: {  	[hbm4b:s5+s2] =	stream.linear.scatter [tilespmem:s12], [sflag:$0x3], $0xC800, $0x38;
	[tilespmem:$0x1A900] =	vst v63  }
0x3e: {  	_ =	swait.ge [sflag:s15], $0xC800  }
0x3f: {  	[sflag:s15] =	ssyncset.done $0x0  }
0x40: {  	[sflag:s15] =	ssyncadd.s32 $0xFFFF3800  }
0x41: {  	_ =	swait.ge [sflag:s16], $0xC800  }
0x42: {  	[sflag:s16] =	ssyncset.done $0x0  }
0x43: {  	s21 =	simm.s32 $0xE180;
	[sflag:s16] =	ssyncadd.s32 $0xFFFF3800  }
0x44: {  	[tilespmem:s12], [sflag:$0x1] =	stream.indirect.gather [hbm4b:s3+s11], $0x20, s17, s11, $0xb8;
	[tilespmem:$0x1A900] =	vst v63  }
0x45: {  	v0 =	vld [tilespmem:s21+$0xFFFFFF80]  }
0x46: {  	v1 =	vld [tilespmem:s21+$0xFFFFFF90]  }
0x47: {  	v2 =	vld [tilespmem:s21+$0xFFFFFFA0]  }
0x48: {  	v3 =	vld [tilespmem:s21+$0xFFFFFFB0]  }
0x49: {  	v4 =	vld [tilespmem:s21+$0xFFFFFFC0]  }
0x4a: {  	v5 =	vld [tilespmem:s21+$0xFFFFFFD0];
	v0 =	vmax.f32 v0, $0.0e+00  }
0x4b: {  	[tilespmem:s21+$0xFFFFFF80] =	vst v0;
	v0 =	vmax.f32 v1, $0.0e+00;
	v1 =	vld [tilespmem:s21+$0xFFFFFFE0]  }
0x4c: {  	[tilespmem:s21+$0xFFFFFF90] =	vst v0;
	v0 =	vmax.f32 v2, $0.0e+00;
	v2 =	vld [tilespmem:s21+$0x0]  }
0x4d: {  	[tilespmem:s21+$0xFFFFFFA0] =	vst v0;
	v0 =	vmax.f32 v3, $0.0e+00;
	v3 =	vld [tilespmem:s21+$0x10]  }
0x4e: {  	[tilespmem:s21+$0xFFFFFFB0] =	vst v0;
	v0 =	vmax.f32 v4, $0.0e+00;
	v4 =	vld [tilespmem:s21+$0x20]  }
0x4f: {  	[tilespmem:s21+$0xFFFFFFC0] =	vst v0;
	v0 =	vmax.f32 v5, $0.0e+00;
	v5 =	vld [tilespmem:s21+$0x30]  }
0x50: {  	[tilespmem:s21+$0xFFFFFFD0] =	vst v0;
	v1 =	vmax.f32 v1, $0.0e+00;
	v0 =	vld [tilespmem:s21+$0x40]  }
0x51: {  	[tilespmem:s21+$0xFFFFFFE0] =	vst v1;
	v2 =	vmax.f32 v2, $0.0e+00;
	v1 =	vld [tilespmem:s21+$0x50]  }
0x52: {  	[tilespmem:s21+$0x0] =	vst v2;
	v3 =	vmax.f32 v3, $0.0e+00;
	v2 =	vld [tilespmem:s21+$0x60]  }
0x53: {  	[tilespmem:s21+$0x10] =	vst v3;
	v6 =	vmax.f32 v4, $0.0e+00;
	v4 =	vld [tilespmem:s21+$0x70]  }
0x54: {  	s22 =	simm.s32 $0x0;
	s23 =	simm.s32 $0xE280;
	v3 =	vld [tilespmem:s21+$0xFFFFFFF0];
	[tilespmem:s21+$0x20] =	vst v6;
	v5 =	vmax.f32 v5, $0.0e+00  }
.LBB2_4:
0x55: {  	v6 =	vld [tilespmem:s23+$0xFFFFFF80];
	[tilespmem:s21+$0x30] =	vst v5;
	v0 =	vmax.f32 v0, $0.0e+00  }
0x56: {  	v5 =	vld [tilespmem:s23+$0xFFFFFF90];
	[tilespmem:s21+$0x40] =	vst v0;
	v0 =	vmax.f32 v1, $0.0e+00  }
0x57: {  	v1 =	vld [tilespmem:s23+$0xFFFFFFA0];
	[tilespmem:s21+$0x50] =	vst v0;
	v0 =	vmax.f32 v2, $0.0e+00  }
0x58: {  	v2 =	vld [tilespmem:s23+$0xFFFFFFB0];
	[tilespmem:s21+$0x60] =	vst v0;
	v0 =	vmax.f32 v4, $0.0e+00  }
0x59: {  	v4 =	vld [tilespmem:s23+$0xFFFFFFC0];
	v3 =	vmax.f32 v3, $0.0e+00;
	[tilespmem:s21+$0x70] =	vst v0  }
0x5a: {  	v0 =	vmax.f32 v6, $0.0e+00;
	v6 =	vld [tilespmem:s23+$0xFFFFFFD0];
	[tilespmem:s21+$0xFFFFFFF0] =	vst v3;
	s21 =	smov.u32 s23  }
0x5b: {  	[tilespmem:s23+$0xFFFFFF80] =	vst v0;
	v0 =	vmax.f32 v5, $0.0e+00;
	v3 =	vld [tilespmem:s23+$0xFFFFFFE0]  }
0x5c: {  	[tilespmem:s23+$0xFFFFFF90] =	vst v0;
	v0 =	vmax.f32 v1, $0.0e+00;
	v1 =	vld [tilespmem:s23+$0x0]  }
0x5d: {  	[tilespmem:s23+$0xFFFFFFA0] =	vst v0;
	v0 =	vmax.f32 v2, $0.0e+00;
	v2 =	vld [tilespmem:s23+$0x10]  }
0x5e: {  	s22 =	sadd.s32 $0x8, s22;
	[tilespmem:s23+$0xFFFFFFB0] =	vst v0;
	v0 =	vmax.f32 v4, $0.0e+00;
	v4 =	vld [tilespmem:s23+$0x20]  }
0x5f: {  	p0 =	slt.u32 s22, $0x638;
	[tilespmem:s23+$0xFFFFFFC0] =	vst v0;
	v0 =	vmax.f32 v6, $0.0e+00;
	v5 =	vld [tilespmem:s23+$0x30]  }
.Ltmp1:
0x60: {  	[tilespmem:s23+$0xFFFFFFD0] =	vst v0;
	v3 =	vmax.f32 v3, $0.0e+00;
	v0 =	vld [tilespmem:s23+$0x40];
	(pc) =	sbr.rel @p0 .LBB2_4-.Ltmp1, $4  }
0x61: {  	[tilespmem:s23+$0xFFFFFFE0] =	vst v3;
	v3 =	vmax.f32 v1, $0.0e+00;
	v1 =	vld [tilespmem:s23+$0x50]  }
0x62: {  	[tilespmem:s23+$0x0] =	vst v3;
	v3 =	vmax.f32 v2, $0.0e+00;
	v2 =	vld [tilespmem:s23+$0x60]  }
0x63: {  	[tilespmem:s23+$0x10] =	vst v3;
	v6 =	vmax.f32 v4, $0.0e+00;
	v4 =	vld [tilespmem:s23+$0x70]  }
0x64: {  	s23 =	sadd.s32 $0x100, s23;
	v3 =	vld [tilespmem:s21+$0xFFFFFFF0];
	[tilespmem:s21+$0x20] =	vst v6;
	v5 =	vmax.f32 v5, $0.0e+00  }
0x65: {  	[tilespmem:s21+$0x30] =	vst v5;
	v0 =	vmax.f32 v0, $0.0e+00  }
0x66: {  	[tilespmem:s21+$0x40] =	vst v0;
	v0 =	vmax.f32 v1, $0.0e+00  }
0x67: {  	[tilespmem:s21+$0x50] =	vst v0;
	v0 =	vmax.f32 v2, $0.0e+00  }
0x68: {  	[tilespmem:s21+$0x60] =	vst v0;
	v0 =	vmax.f32 v4, $0.0e+00  }
0x69: {  	v1 =	vmax.f32 v3, $0.0e+00;
	[tilespmem:s21+$0x70] =	vst v0  }
0x6a: {  	[tilespmem:s21+$0xFFFFFFF0] =	vst v1  }
0x6b: {  	[hbm4b:s6+s2] =	stream.linear.scatter [tilespmem:s14], [sflag:$0x4], $0xC800, $0x38;
	[tilespmem:$0x1A900] =	vst v63  }
0x6c: {  	_ =	swait.ge [sflag:s13], $0xC800  }
0x6d: {  	[sflag:s13] =	ssyncset.done $0x0  }
0x6e: {  	[sflag:s13] =	ssyncadd.s32 $0xFFFF3800  }
0x6f: {  	_ =	swait.ge [sflag:s18], $0xC800  }
0x70: {  	[sflag:s18] =	ssyncset.done $0x0  }
0x71: {  	s21 =	simm.s32 $0x1980;
	[sflag:s18] =	ssyncadd.s32 $0xFFFF3800  }
0x72: {  	[tilespmem:s14], [sflag:$0x2] =	stream.indirect.gather [hbm4b:s3+s11], $0x20, s19, s11, $0xb8;
	[tilespmem:$0x1A900] =	vst v63  }
0x73: {  	v0 =	vld [tilespmem:s21+$0xFFFFFF80]  }
0x74: {  	v1 =	vld [tilespmem:s21+$0xFFFFFF90]  }
0x75: {  	v2 =	vld [tilespmem:s21+$0xFFFFFFA0]  }
0x76: {  	v3 =	vld [tilespmem:s21+$0xFFFFFFB0]  }
0x77: {  	v4 =	vld [tilespmem:s21+$0xFFFFFFC0]  }
0x78: {  	v5 =	vld [tilespmem:s21+$0xFFFFFFD0];
	v0 =	vmax.f32 v0, $0.0e+00  }
0x79: {  	[tilespmem:s21+$0xFFFFFF80] =	vst v0;
	v0 =	vmax.f32 v1, $0.0e+00;
	v1 =	vld [tilespmem:s21+$0xFFFFFFE0]  }
0x7a: {  	[tilespmem:s21+$0xFFFFFF90] =	vst v0;
	v0 =	vmax.f32 v2, $0.0e+00;
	v2 =	vld [tilespmem:s21+$0x0]  }
0x7b: {  	[tilespmem:s21+$0xFFFFFFA0] =	vst v0;
	v0 =	vmax.f32 v3, $0.0e+00;
	v3 =	vld [tilespmem:s21+$0x10]  }
0x7c: {  	[tilespmem:s21+$0xFFFFFFB0] =	vst v0;
	v0 =	vmax.f32 v4, $0.0e+00;
	v4 =	vld [tilespmem:s21+$0x20]  }
0x7d: {  	[tilespmem:s21+$0xFFFFFFC0] =	vst v0;
	v0 =	vmax.f32 v5, $0.0e+00;
	v5 =	vld [tilespmem:s21+$0x30]  }
0x7e: {  	[tilespmem:s21+$0xFFFFFFD0] =	vst v0;
	v1 =	vmax.f32 v1, $0.0e+00;
	v0 =	vld [tilespmem:s21+$0x40]  }
0x7f: {  	[tilespmem:s21+$0xFFFFFFE0] =	vst v1;
	v2 =	vmax.f32 v2, $0.0e+00;
	v1 =	vld [tilespmem:s21+$0x50]  }
0x80: {  	[tilespmem:s21+$0x0] =	vst v2;
	v3 =	vmax.f32 v3, $0.0e+00;
	v2 =	vld [tilespmem:s21+$0x60]  }
0x81: {  	[tilespmem:s21+$0x10] =	vst v3;
	v6 =	vmax.f32 v4, $0.0e+00;
	v4 =	vld [tilespmem:s21+$0x70]  }
0x82: {  	s22 =	simm.s32 $0x0;
	s23 =	simm.s32 $0x1A80;
	v3 =	vld [tilespmem:s21+$0xFFFFFFF0];
	[tilespmem:s21+$0x20] =	vst v6;
	v5 =	vmax.f32 v5, $0.0e+00  }
.LBB2_6:
0x83: {  	v6 =	vld [tilespmem:s23+$0xFFFFFF80];
	[tilespmem:s21+$0x30] =	vst v5;
	v0 =	vmax.f32 v0, $0.0e+00  }
0x84: {  	v5 =	vld [tilespmem:s23+$0xFFFFFF90];
	[tilespmem:s21+$0x40] =	vst v0;
	v0 =	vmax.f32 v1, $0.0e+00  }
0x85: {  	v1 =	vld [tilespmem:s23+$0xFFFFFFA0];
	[tilespmem:s21+$0x50] =	vst v0;
	v0 =	vmax.f32 v2, $0.0e+00  }
0x86: {  	v2 =	vld [tilespmem:s23+$0xFFFFFFB0];
	[tilespmem:s21+$0x60] =	vst v0;
	v0 =	vmax.f32 v4, $0.0e+00  }
0x87: {  	v4 =	vld [tilespmem:s23+$0xFFFFFFC0];
	v3 =	vmax.f32 v3, $0.0e+00;
	[tilespmem:s21+$0x70] =	vst v0  }
0x88: {  	v0 =	vmax.f32 v6, $0.0e+00;
	v6 =	vld [tilespmem:s23+$0xFFFFFFD0];
	[tilespmem:s21+$0xFFFFFFF0] =	vst v3;
	s21 =	smov.u32 s23  }
0x89: {  	[tilespmem:s23+$0xFFFFFF80] =	vst v0;
	v0 =	vmax.f32 v5, $0.0e+00;
	v3 =	vld [tilespmem:s23+$0xFFFFFFE0]  }
0x8a: {  	[tilespmem:s23+$0xFFFFFF90] =	vst v0;
	v0 =	vmax.f32 v1, $0.0e+00;
	v1 =	vld [tilespmem:s23+$0x0]  }
0x8b: {  	[tilespmem:s23+$0xFFFFFFA0] =	vst v0;
	v0 =	vmax.f32 v2, $0.0e+00;
	v2 =	vld [tilespmem:s23+$0x10]  }
0x8c: {  	s22 =	sadd.s32 $0x8, s22;
	[tilespmem:s23+$0xFFFFFFB0] =	vst v0;
	v0 =	vmax.f32 v4, $0.0e+00;
	v4 =	vld [tilespmem:s23+$0x20]  }
0x8d: {  	p0 =	slt.u32 s22, $0x638;
	[tilespmem:s23+$0xFFFFFFC0] =	vst v0;
	v0 =	vmax.f32 v6, $0.0e+00;
	v5 =	vld [tilespmem:s23+$0x30]  }
.Ltmp2:
0x8e: {  	[tilespmem:s23+$0xFFFFFFD0] =	vst v0;
	v3 =	vmax.f32 v3, $0.0e+00;
	v0 =	vld [tilespmem:s23+$0x40];
	(pc) =	sbr.rel @p0 .LBB2_6-.Ltmp2, $4  }
0x8f: {  	[tilespmem:s23+$0xFFFFFFE0] =	vst v3;
	v3 =	vmax.f32 v1, $0.0e+00;
	v1 =	vld [tilespmem:s23+$0x50]  }
0x90: {  	[tilespmem:s23+$0x0] =	vst v3;
	v3 =	vmax.f32 v2, $0.0e+00;
	v2 =	vld [tilespmem:s23+$0x60]  }
0x91: {  	[tilespmem:s23+$0x10] =	vst v3;
	v6 =	vmax.f32 v4, $0.0e+00;
	v4 =	vld [tilespmem:s23+$0x70]  }
0x92: {  	s23 =	sadd.s32 $0x100, s23;
	v3 =	vld [tilespmem:s21+$0xFFFFFFF0];
	[tilespmem:s21+$0x20] =	vst v6;
	v5 =	vmax.f32 v5, $0.0e+00  }
0x93: {  	[tilespmem:s21+$0x30] =	vst v5;
	v0 =	vmax.f32 v0, $0.0e+00  }
0x94: {  	[tilespmem:s21+$0x40] =	vst v0;
	v0 =	vmax.f32 v1, $0.0e+00  }
0x95: {  	[tilespmem:s21+$0x50] =	vst v0;
	v0 =	vmax.f32 v2, $0.0e+00  }
0x96: {  	[tilespmem:s21+$0x60] =	vst v0;
	v0 =	vmax.f32 v4, $0.0e+00  }
0x97: {  	v1 =	vmax.f32 v3, $0.0e+00;
	[tilespmem:s21+$0x70] =	vst v0  }
0x98: {  	[tilespmem:s21+$0xFFFFFFF0] =	vst v1  }
0x99: {  	[hbm4b:s7+s2] =	stream.linear.scatter [tilespmem:s12], [sflag:$0x3], $0xC800, $0x38;
	[tilespmem:$0x1A900] =	vst v63  }
0x9a: {  	_ =	swait.ge [sflag:s15], $0xC800  }
0x9b: {  	[sflag:s15] =	ssyncset.done $0x0  }
0x9c: {  	s21 =	simm.s32 $0xE180;
	[sflag:s15] =	ssyncadd.s32 $0xFFFF3800  }
0x9d: {  	v0 =	vld [tilespmem:s21+$0xFFFFFF80]  }
0x9e: {  	v1 =	vld [tilespmem:s21+$0xFFFFFF90]  }
0x9f: {  	v2 =	vld [tilespmem:s21+$0xFFFFFFA0]  }
0xa0: {  	v3 =	vld [tilespmem:s21+$0xFFFFFFB0]  }
0xa1: {  	v4 =	vld [tilespmem:s21+$0xFFFFFFC0]  }
0xa2: {  	v5 =	vld [tilespmem:s21+$0xFFFFFFD0];
	v0 =	vmax.f32 v0, $0.0e+00  }
0xa3: {  	[tilespmem:s21+$0xFFFFFF80] =	vst v0;
	v0 =	vmax.f32 v1, $0.0e+00;
	v1 =	vld [tilespmem:s21+$0xFFFFFFE0]  }
0xa4: {  	[tilespmem:s21+$0xFFFFFF90] =	vst v0;
	v0 =	vmax.f32 v2, $0.0e+00;
	v2 =	vld [tilespmem:s21+$0x0]  }
0xa5: {  	[tilespmem:s21+$0xFFFFFFA0] =	vst v0;
	v0 =	vmax.f32 v3, $0.0e+00;
	v3 =	vld [tilespmem:s21+$0x10]  }
0xa6: {  	[tilespmem:s21+$0xFFFFFFB0] =	vst v0;
	v0 =	vmax.f32 v4, $0.0e+00;
	v4 =	vld [tilespmem:s21+$0x20]  }
0xa7: {  	[tilespmem:s21+$0xFFFFFFC0] =	vst v0;
	v0 =	vmax.f32 v5, $0.0e+00;
	v5 =	vld [tilespmem:s21+$0x30]  }
0xa8: {  	[tilespmem:s21+$0xFFFFFFD0] =	vst v0;
	v1 =	vmax.f32 v1, $0.0e+00;
	v0 =	vld [tilespmem:s21+$0x40]  }
0xa9: {  	[tilespmem:s21+$0xFFFFFFE0] =	vst v1;
	v2 =	vmax.f32 v2, $0.0e+00;
	v1 =	vld [tilespmem:s21+$0x50]  }
0xaa: {  	[tilespmem:s21+$0x0] =	vst v2;
	v3 =	vmax.f32 v3, $0.0e+00;
	v2 =	vld [tilespmem:s21+$0x60]  }
0xab: {  	[tilespmem:s21+$0x10] =	vst v3;
	v6 =	vmax.f32 v4, $0.0e+00;
	v4 =	vld [tilespmem:s21+$0x70]  }
0xac: {  	s22 =	simm.s32 $0x0;
	s23 =	simm.s32 $0xE280;
	v3 =	vld [tilespmem:s21+$0xFFFFFFF0];
	[tilespmem:s21+$0x20] =	vst v6;
	v5 =	vmax.f32 v5, $0.0e+00  }
.LBB2_8:
0xad: {  	v6 =	vld [tilespmem:s23+$0xFFFFFF80];
	[tilespmem:s21+$0x30] =	vst v5;
	v0 =	vmax.f32 v0, $0.0e+00  }
0xae: {  	v5 =	vld [tilespmem:s23+$0xFFFFFF90];
	[tilespmem:s21+$0x40] =	vst v0;
	v0 =	vmax.f32 v1, $0.0e+00  }
0xaf: {  	v1 =	vld [tilespmem:s23+$0xFFFFFFA0];
	[tilespmem:s21+$0x50] =	vst v0;
	v0 =	vmax.f32 v2, $0.0e+00  }
0xb0: {  	v2 =	vld [tilespmem:s23+$0xFFFFFFB0];
	[tilespmem:s21+$0x60] =	vst v0;
	v0 =	vmax.f32 v4, $0.0e+00  }
0xb1: {  	v4 =	vld [tilespmem:s23+$0xFFFFFFC0];
	v3 =	vmax.f32 v3, $0.0e+00;
	[tilespmem:s21+$0x70] =	vst v0  }
0xb2: {  	v0 =	vmax.f32 v6, $0.0e+00;
	v6 =	vld [tilespmem:s23+$0xFFFFFFD0];
	[tilespmem:s21+$0xFFFFFFF0] =	vst v3;
	s21 =	smov.u32 s23  }
0xb3: {  	[tilespmem:s23+$0xFFFFFF80] =	vst v0;
	v0 =	vmax.f32 v5, $0.0e+00;
	v3 =	vld [tilespmem:s23+$0xFFFFFFE0]  }
0xb4: {  	[tilespmem:s23+$0xFFFFFF90] =	vst v0;
	v0 =	vmax.f32 v1, $0.0e+00;
	v1 =	vld [tilespmem:s23+$0x0]  }
0xb5: {  	[tilespmem:s23+$0xFFFFFFA0] =	vst v0;
	v0 =	vmax.f32 v2, $0.0e+00;
	v2 =	vld [tilespmem:s23+$0x10]  }
0xb6: {  	s22 =	sadd.s32 $0x8, s22;
	[tilespmem:s23+$0xFFFFFFB0] =	vst v0;
	v0 =	vmax.f32 v4, $0.0e+00;
	v4 =	vld [tilespmem:s23+$0x20]  }
0xb7: {  	p0 =	slt.u32 s22, $0x638;
	[tilespmem:s23+$0xFFFFFFC0] =	vst v0;
	v0 =	vmax.f32 v6, $0.0e+00;
	v5 =	vld [tilespmem:s23+$0x30]  }
.Ltmp3:
0xb8: {  	[tilespmem:s23+$0xFFFFFFD0] =	vst v0;
	v3 =	vmax.f32 v3, $0.0e+00;
	v0 =	vld [tilespmem:s23+$0x40];
	(pc) =	sbr.rel @p0 .LBB2_8-.Ltmp3, $4  }
0xb9: {  	[tilespmem:s23+$0xFFFFFFE0] =	vst v3;
	v3 =	vmax.f32 v1, $0.0e+00;
	v1 =	vld [tilespmem:s23+$0x50]  }
0xba: {  	[tilespmem:s23+$0x0] =	vst v3;
	v3 =	vmax.f32 v2, $0.0e+00;
	v2 =	vld [tilespmem:s23+$0x60]  }
0xbb: {  	[tilespmem:s23+$0x10] =	vst v3;
	v6 =	vmax.f32 v4, $0.0e+00;
	v4 =	vld [tilespmem:s23+$0x70]  }
0xbc: {  	s23 =	sadd.s32 $0x100, s23;
	v3 =	vld [tilespmem:s21+$0xFFFFFFF0];
	[tilespmem:s21+$0x20] =	vst v6;
	v5 =	vmax.f32 v5, $0.0e+00  }
0xbd: {  	[tilespmem:s21+$0x30] =	vst v5;
	v0 =	vmax.f32 v0, $0.0e+00  }
0xbe: {  	[tilespmem:s21+$0x40] =	vst v0;
	v60 =	vmax.f32 v1, $0.0e+00  }
0xbf: {  	[tilespmem:s21+$0x50] =	vst v60;
	v61 =	vmax.f32 v2, $0.0e+00  }
0xc0: {  	[tilespmem:s21+$0x60] =	vst v61;
	v62 =	vmax.f32 v4, $0.0e+00  }
0xc1: {  	v63 =	vmax.f32 v3, $0.0e+00;
	[tilespmem:s21+$0x70] =	vst v62  }
0xc2: {  	s20 =	sadd.s32 $0x1, s20;
	[tilespmem:s21+$0xFFFFFFF0] =	vst v63  }
0xc3: {  	[hbm4b:s8+s2] =	stream.linear.scatter [tilespmem:s14], [sflag:$0x4], $0xC800, $0x38;
	[tilespmem:$0x1A900] =	vst v63  }
0xc4: {  	p0 =	sne.s32 s20, s9;
	_ =	swait.ge [sflag:s16], $0xC800  }
.Ltmp4:
0xc5: {  	[sflag:s16] =	ssyncset.done $0x0;
	(pc) =	sbr.rel @p0 .LBB2_1-.Ltmp4, $4  }
0xc6: {  	[sflag:s16] =	ssyncadd.s32 $0xFFFF3800  }
0xc7: {  	_ =	swait.ge [sflag:s18], $0xC800  }
0xc8: {  	[sflag:s18] =	ssyncset.done $0x0  }
0xc9: {  	[sflag:s18] =	ssyncadd.s32 $0xFFFF3800  }
0xca: {  	_ =	sfence.sel $0x180000  }
0xcb: {  	[bflag:$0x0] =	sbarrier.arrive $0xFFFF  }
0xcc: {  	p0 =	sne.s32 s0, $0x0;
	_ =	strace $0x9000004A  }
0xcd: {  	s0 =	sadd.s32 @!p0 $0x100000, s1;
	[bflag:$0x2] =	sbarrier.arrive $0xFFFF  }
0xce: {  	[sflag:s0] =	ssyncadd.tile.s32 @!p0 $0x1;
	_ =	shalt  }
.Lfunc_end2:
_tile_overlayer_lowered:
.L_overlay_start_2:
0xcf: {  	(tag) =	ssettag $0x2  }
0xd0: {  	s0 =	rddreg [dreg:$0x0];
	s2 =	stileid.u32  }
0xd1: {  	s1 =	rddreg [dreg:$0x1];
	p0 =	sne.s32 s2, $0x0  }
0xd2: {  	s3 =	rddreg [dreg:$0x2];
	[bflag:$0x3] =	sbarrier.arrive $0xFFFF;
	s2 =	simm.s32 @!p0 $0x1C05  }
0xd3: {  	[timem:s3], [sflag:s2] =	dma.local @!p0 [hbm:s0], s1  }
0xd4: {  	s0 =	simm.s32 @!p0 $0x5  }
0xd5: {  	_ =	swait.ge @!p0 [sflag:s0], s1  }
0xd6: {  	s1 =	ssub.s32 @!p0 $0x0, s1;
	[sflag:s0] =	ssyncset.done @!p0 $0x0  }
0xd7: {  	[sflag:s0] =	ssyncadd.s32 @!p0 s1  }
0xd8: {  	[bflag:$0x3] =	sbarrier.arrive $0xFFFF  }
0xd9: {  	_ =	shalt  }

// kernel: sparse-core-data-format-call.cloned.1.call-start
scs
called_computation_lowered:
.L_overlay_start_0:
0x0: {  	s1 =	sld [smem:$0x3FD9]  }
0x1: {  	s2 =	sld [smem:$0x3FFE];
	_ =	sdelay $0x1  }
0x2: {  	s3 =	srdreg.scid  }
0x3: {  	s0 =	sand.u32 $0x1, s3  }
0x4: {  	s17 =	sshll.u32 s0, $0xA;
	s1 =	sadd.s32 s2, s1  }
0x5: {  	s1 =	sadd.s32 s1, s17  }
0x6: {  	[smem:$0x3FC6] =	sst s1  }
0x7: {  	_ = 	snop  }
0x8: {  	(tm) =	ssettm $0x1  }
0x9: {  	s18 =	sld [smem:$0x3FFB];
	_ =	sdelay $0x3  }
0xa: {  	_ =	strace s18  }
0xb: {  	s1 =	sld [smem:$0x3FFC];
	_ =	sdelay $0x3  }
0xc: {  	_ =	strace s1  }
0xd: {  	s1 =	sld [smem:$0x3FFD];
	_ =	sdelay $0x3  }
0xe: {  	_ =	strace s1  }
0xf: {  	_ =	strace $0x8FFFFFFF  }
0x10: {  	s19 =	sld [smem:$0x3FDB];
	_ =	sdelay $0x1  }
0x11: {  	s20 =	simm.s32 $_scs_section_size  }
0x12: {  	s4 =	simm.s32 $_size__tile_overlayer_lowered;
	s5 =	simm.s32 $_tile_overlayer_lowered  }
0x13: {  	s23 =	simm.s32 $0x1BFF;
	s22 =	sshll.u32 s5, $0x1;
	s1 =	sadd.s32 s20, s19  }
0x14: {  	s6 =	simm.s32 $0x0;
	s21 =	sshll.u32 s4, $0x1;
	s4 =	sadd.s32 s22, s1  }
0x15: {  	[timem:s6], [sflag:s23] =	dma.local [hbm:s4], s21  }
0x16: {  	_ =	swait.ge [sflag:s23], s21  }
0x17: {  	s2 =	ssub.s32 $0x0, s21;
	[sflag:s23] =	ssyncset.done $0x0  }
0x18: {  	[sflag:s23] =	ssyncadd.s32 s2;
	_ =	sdelay $0x1  }
0x19: {  	s24 =	simm.s32 $0x1B8B  }
0x1a: {  	_ =	swait.ge [sflag:s24], $0x1  }
0x1b: {  	[sflag:s24] =	ssyncset.done $0x0  }
0x1c: {  	s26 =	simm.s32 $0x1B8E;
	s25 =	sld [smem:$0x3FFE];
	[sflag:s24] =	ssyncadd.s32 $0xFFFFFFFF  }
0x1d: {  	s27 =	simm.s32 $execute0_lowered;
	[smem:$0x3FD2] =	sst s26  }
0x1e: {  	s4 =	sshll.u32 s27, $0x1;
	_ =	strace $0x80000046;
	[dreg:$0x1] =	wrdreg $0xFFFFFFFF  }
0x1f: {  	s28 =	simm.s32 $_size_execute0_lowered;
	s1 =	sadd.s32 s1, s4;
	[dreg:$0x0] =	wrdreg $0x0  }
0x20: {  	s4 =	sshll.u32 s28, $0x1;
	[dreg:$0x2] =	wrdreg s1  }
0x21: {  	[dreg:$0x3] =	wrdreg s4  }
0x22: {  	[dreg:$0x4] =	wrdreg $0xC0  }
0x23: {  	_ =	task [dreg:s6], $0x5FFFF  }
0x24: {  	[dreg:$0x1] =	wrdreg $0xFFFFFFFF  }
0x25: {  	[dreg:$0x0] =	wrdreg $0x60  }
0x26: {  	[dreg:$0x2] =	wrdreg s25  }
0x27: {  	[dreg:$0x3] =	wrdreg $0x9  }
0x28: {  	_ =	task.clear_ibuf [dreg:s6], $0x4FFFF;
	_ =	strace $0x90000046  }
0x29: {  	s29 =	simm.s32 $0x9;
	_ =	strace $0x80000048  }
0x2a: {  	_ =	swait.ge [sflag:s29], $0x1  }
0x2b: {  	[sflag:s29] =	ssyncadd.s32 $0xFFFFFFFF  }
0x2c: {  	_ =	strace $0x90000048  }
0x2d: {  	_ =	sfence  }
0x2e: {  	s30 =	sld [smem:$0x0];
	_ =	sdelay $0x2  }
0x2f: {  	s31 =	sshll.u32 s3, $0xD;
	s3 =	sshrl.u32 s3, $0x2  }
0x30: {  	s2 =	sand.u32 $0x4000, s31;
	s1 =	sadd.s32 s3, s30  }
0x31: {  	s0 =	sor.u32 s2, s0;
	s1 =	sshll.u32 s1, $0x11  }
0x32: {  	s0 =	sor.u32 s1, s0  }
0x33: {  	s0 =	sadd.s32 $0x8F2B, s0  }
0x34: {  	[sflag:s0] =	ssyncadd.remote.s32 $0x1  }
0x35: {  	_ =	sfence.sel $0xFFFF  }
0x36: {  	[dreg:$0x0] =	wrdreg $0xFFFFFFFF;
	(pc) =	sbr.abs _section_cstart, $3  }
0x37: {  	[dreg:$0x1] =	wrdreg $0xFFFFFFFF  }
0x38: {  	_ =	task.clear_ibuf [dreg:s6], $0x2FFFF;
	_ =	strace $0x9FFFFFFF  }
0x39: {  	(tm) =	ssettm $0x7FFFFFFF  }
tec
execute0_lowered:
.L_overlay_start_1:
0x0: {  	(tag) =	ssettag $0x1  }
0x1: {  	s0 =	srdreg.scid  }
0x2: {  	s5 =	rddreg [dreg:$0x0];
	s1 =	stileid.u32;
	s4 =	simm.s32 $0x1  }
0x3: {  	s6 =	simm.s32 $0x2;
	s15 =	simm.s32 $0x0;
	p0 =	por $0x0, $0x0  }
0x4: {  	s8 =	simm.s32 $0x80;
	s14 =	simm.s32 $0x0;
	s2 =	sshll.u32 s0, $0x4  }
0x5: {  	s9 =	simm.s32 $0x0;
	s10 =	simm.s32 $0x0;
	s2 =	sand.u32 $0x10, s2  }
.Ltmp0:
0x6: {  	s12 =	simm.s32 $0x0;
	s3 =	sor.u32 s1, s2;
	(pc) =	sbr.rel .LBB1_1-.Ltmp0, $4  }
0x7: {  	s0 =	rddreg [dreg:$0x1];
	_ =	strace $0x80000047;
	s3 =	sshll.u32 s3, $0x7  }
0x8: {  	s13 =	simm.s32 $0x0;
	[sflag:s4] =	ssyncpa.u1 $0x0;
	s7 =	ssub.s32 $0xF4200, s3  }
0x9: {  	s2 =	sadd.s32 $0xA00, s5;
	[sflag:s6] =	ssyncpa.u1 $0x0;
	s6 =	sshrl.u32 s7, $0xC  }
0xa: {  	s5 =	sadd.s32 $0x3D1400, s5;
	s11 =	smov.u32 s3;
	s7 =	sadd.s32 $0x2, s6  }
.LBB1_5:
0xb: {  	p1 =	slt.u32 s13, $0x2  }
0xc: {  	s17 =	smov.u32 s15;
	p2 =	sgt.s32 @!p1 s15, $0xF41C0;
	s16 =	sshra.s32 @!p1 s15, $0x1F  }
0xd: {  	p3 =	sgt.s32 @!p1 s14, $0x60;
	s18 =	sshra.s32 @!p1 s14, $0x1F;
	p2 =	por !p2, p1  }
0xe: {  	s15 =	sand.u32 @!p1 s16, s15;
	p3 =	por !p3, p1;
	s16 =	smov.u32 s14  }
0xf: {  	s14 =	sand.u32 @!p1 s18, s14;
	s17 =	simm.s32 @p2 $0xF41C0;
	s16 =	simm.s32 @p3 $0x60  }
0x10: {  	s15 =	ssub.s32 @!p1 s17, s15;
	s14 =	ssub.s32 @!p1 s16, s14  }
0x11: {  	s18 =	smov.u32 s12;
	s16 =	sadd.s32 @!p1 $0xFFF0BE40, s15;
	s17 =	sadd.s32 @!p1 $0xFFFFFFA0, s14  }
0x12: {  	s15 =	ssub.s32 @!p1 $0xF4240, s15;
	p2 =	sgt.s32 @!p1 s16, $0x7F;
	p3 =	sgt.s32 @!p1 s17, $0x1F  }
0x13: {  	s14 =	ssub.s32 @!p1 $0x80, s14;
	p2 =	por !p2, p1;
	p3 =	por !p3, p1  }
0x14: {  	s16 =	sadd.s32 $0x1000, s11;
	s15 =	simm.s32 @!p2 $0x0;
	s14 =	simm.s32 @!p3 $0x0  }
0x15: {  	p2 =	sgt.s32 s16, $0xF423F;
	s14 =	smul.u32 @!p1 s14, s15;
	s15 =	sadd.s32 $0x20, s12  }
0x16: {  	s18 =	smov.u32 @p2 s15  }
0x17: {  	s16 =	smov.u32 @p2 s3;
	p2 =	sgt.s32 s18, $0x1F  }
0x18: {  	s18 =	simm.s32 @p2 $0x0;
	p2 =	sne.s32 s13, s7  }
.Ltmp1:
0x19: {  	p0 =	por !p0, !p0;
	s17 =	simm.s32 @!p1 $0x2;
	(pc) =	sbr.rel @!p2 .LBB1_6-.Ltmp1, $4  }
0x1a: {  	s15 =	smov.u32 s9;
	s9 =	smov.u32 s11;
	s14 =	sand.u32 @!p1 $0x3FFFFFFF, s14  }
0x1b: {  	s11 =	smov.u32 s16;
	_ =	swait.ge @!p1 [sflag:s17], s14;
	s19 =	ssub.s32 @!p1 $0x0, s14  }
0x1c: {  	s14 =	smov.u32 s10;
	s13 =	sadd.s32 $0x1, s13;
	[sflag:s17] =	ssyncset.done @!p1 $0x0  }
0x1d: {  	s10 =	smov.u32 s12;
	s12 =	smov.u32 s18;
	[sflag:s17] =	ssyncadd.s32 @!p1 s19  }
.LBB1_1:
0x1e: {  	p1 =	sgt.u32 s13, s6  }
0x1f: {  	s16 =	sshrl.u32 @!p1 s12, $0x3  }
0x20: {  	s17 =	sshll.u32 @!p1 s11, $0x3;
	s16 =	smul.u32 @!p1 $0x7A1400, s16  }
0x21: {  	s18 =	sshll.u32 @!p1 s12, $0x7;
	s17 =	sand.u32 @!p1 $0xFFFFFC00, s17  }
0x22: {  	s16 =	sadd.s32 @!p1 s16, s17;
	s17 =	sand.u32 @!p1 $0x380, s18  }
0x23: {  	s18 =	sand.u32 @!p1 $0x7F, s11;
	s16 =	sor.u32 @!p1 s17, s16  }
0x24: {  	s17 =	sor.u32 @!p1 s18, s16  }
0x25: {  	s18 =	smulhi.u32 @!p1 $0x218D6287, s17;
	_ =	sdelay $0x1  }
0x26: {  	s16 =	smulhi.u32 @!p1 $0x218D6287, s16;
	s18 =	sshrl.u32 @!p1 s18, $0x11  }
0x27: {  	s18 =	smul.u32 @!p1 $0xF4280, s18  }
0x28: {  	s19 =	sxor.u32 @!p1 $0xFFFFFFFF, s13;
	s16 =	sshrl.u32 @!p1 s16, $0x11  }
0x29: {  	s19 =	sshll.u32 @!p1 s19, $0xC;
	s16 =	sand.u32 @!p1 $0x1F, s16;
	s17 =	ssub.s32 @!p1 s17, s18  }
0x2a: {  	s16 =	smul.u32 @!p1 $0x1E850, s16;
	s18 =	sshrl.u32 @!p1 s17, $0x3;
	s17 =	sand.u32 @!p1 $0x7, s17  }
0x2b: {  	s19 =	sand.u32 @!p1 $0x1000, s19;
	s18 =	sadd.s32 @!p1 s2, s18;
	s17 =	sshll.u32 @!p1 s17, $0x12  }
0x2c: {  	s16 =	sadd.s32 @!p1 s16, s18;
	s17 =	sor.u32 @!p1 $0x400, s17;
	s18 =	simm.s32 @!p1 $0x7A1400  }
0x2d: {  	[tilespmem:s19], [sflag:$0x1] =	stream.strided.gather @!p1 [hbm4b:s16+s17], $0x1000, s18, s17, $0x38;
	[tilespmem:$0x4100] =	vst v63  }
0x2e: {  	p1 =	seq.s32 s13, $0x0  }
0x2f: {  	p2 =	sge.u32 @!p1 s13, s7  }
0x30: {  	p1 =	por p1, p2  }
.Ltmp2:
0x31: {  	_ = 	snop;
	(pc) =	sbr.rel @p1 .LBB1_5-.Ltmp2, $1  }
0x32: {  	_ =	sdelay $0x3  }
0x33: {  	s16 =	simm.s32 $0x1  }
0x34: {  	_ =	swait.ge [sflag:s4], $0x1000;
	s16 =	simm.s32 @!p0 $0x0  }
0x35: {  	[sflag:s4] =	ssyncset.done $0x0;
	s17 =	sshll.u32 s16, $0xC  }
0x36: {  	[sflag:s4] =	ssyncadd.s32 $0xFFFFF000;
	s17 =	sor.u32 $0x40, s17  }
0x37: {  	s16 =	smul.u32 $0x4200, s16;
	v0 =	vld [tilespmem:s17+$0x30]  }
0x38: {  	v1 =	vld [tilespmem:s17+$0xFFFFFFD0]  }
0x39: {  	s16 =	sshrl.u32 s16, $0x2;
	v5 =	vld [tilespmem:s17+$0xFFFFFFE0]  }
0x3a: {  	v6 =	vld [tilespmem:s17+$0xFFFFFFF0];
	s19 =	sor.u32 $0x2000, s16  }
0x3b: {  	s31 =	sand.u32 $0x1, s13;
	v4 =	vld [tilespmem:s17+$0x0];
	s18 =	sadd.s32 $0x0, s19  }
0x3c: {  	v3 =	vld [tilespmem:s17+$0x10];
	s16 =	smul.u32 $0x4200, s31;
	[tilespmem:s18+$0xE70 ss:$0x21] =	vst.msk $0xffff, v0  }
0x3d: {  	v2 =	vld [tilespmem:s17+$0x20];
	[tilespmem:s18+$0x210 ss:$0x21] =	vst.msk $0xffff, v1  }
0x3e: {  	s16 =	sshrl.u32 s16, $0x2;
	v1 =	vld [tilespmem:s17+$0xFFFFFFC0];
	[tilespmem:s18+$0x420 ss:$0x21] =	vst.msk $0xffff, v5;
	s17 =	sadd.s32 $0x80, s17  }
0x3f: {  	s20 =	simm.s32 $0x4;
	s21 =	simm.s32 $0x8;
	s16 =	sor.u32 $0x2000, s16;
	[tilespmem:s18+$0x630 ss:$0x21] =	vst.msk $0xffff, v6;
	v0 =	vld [tilespmem:s17+$0x30]  }
.LBB1_3:
0x40: {  	p1 =	sne.s32 s21, $0x7C;
	v5 =	vld [tilespmem:s17+$0xFFFFFFD0];
	[tilespmem:s18+$0x840 ss:$0x21] =	vst.msk $0xffff, v4  }
0x41: {  	v6 =	vld [tilespmem:s17+$0xFFFFFFE0];
	[tilespmem:s18+$0xA50 ss:$0x21] =	vst.msk $0xffff, v3  }
0x42: {  	s22 =	sshra.s32 s20, $0x2;
	s20 =	smov.u32 s21;
	v7 =	vld [tilespmem:s17+$0xFFFFFFF0];
	[tilespmem:s18+$0xC60 ss:$0x21] =	vst.msk $0xffff, v2  }
.Ltmp3:
0x43: {  	v4 =	vld [tilespmem:s17+$0x0];
	[tilespmem:s18+$0x0 ss:$0x21] =	vst.msk $0xffff, v1;
	s18 =	sadd.s32 s22, s19;
	(pc) =	sbr.rel @p1 .LBB1_3-.Ltmp3, $4  }
0x44: {  	v3 =	vld [tilespmem:s17+$0x10];
	[tilespmem:s18+$0xE70 ss:$0x21] =	vst.msk $0xffff, v0  }
0x45: {  	[tilespmem:s18+$0x210 ss:$0x21] =	vst.msk $0xffff, v5;
	v2 =	vld [tilespmem:s17+$0x20]  }
0x46: {  	v1 =	vld [tilespmem:s17+$0xFFFFFFC0];
	[tilespmem:s18+$0x420 ss:$0x21] =	vst.msk $0xffff, v6;
	s17 =	sadd.s32 $0x80, s17  }
0x47: {  	s21 =	sadd.s32 $0x4, s21;
	v0 =	vld [tilespmem:s17+$0x30];
	[tilespmem:s18+$0x630 ss:$0x21] =	vst.msk $0xffff, v7  }
0x48: {  	s21 =	sshll.u32 s9, $0x7;
	s22 =	sshll.u32 s10, $0x3;
	s20 =	sshra.s32 s20, $0x2  }
0x49: {  	p1 =	sgt.s32 s9, $0xF41C0;
	s30 =	sshra.s32 s9, $0x1F;
	s25 =	sshra.s32 s10, $0x1F  }
0x4a: {  	v5 =	vld [tilespmem:s17+$0xFFFFFFD0];
	s28 =	sshrl.u32 s10, $0x3;
	s23 =	sand.u32 $0xFFFFFC00, s21;
	s22 =	sand.u32 $0xFFFFFC00, s22  }
0x4b: {  	[tilespmem:s18+$0x840 ss:$0x21] =	vst.msk $0xffff, v4;
	v58 =	vld [tilespmem:s17+$0xFFFFFFE0];
	s21 =	sand.u32 $0x380, s21;
	s19 =	sadd.s32 s20, s19;
	s22 =	sadd.s32 s22, s23  }
0x4c: {  	v59 =	vld [tilespmem:s17+$0xFFFFFFF0];
	[tilespmem:s18+$0xA50 ss:$0x21] =	vst.msk $0xffff, v3;
	s29 =	sor.u32 s21, s22;
	s21 =	smov.u32 s9;
	s22 =	sand.u32 s30, s9  }
0x4d: {  	v60 =	vld [tilespmem:s17+$0x0];
	[tilespmem:s18+$0xC60 ss:$0x21] =	vst.msk $0xffff, v2;
	s30 =	sand.u32 $0x7, s10;
	s20 =	sshrl.u32 s29, $0x7;
	s21 =	simm.s32 @!p1 $0xF41C0  }
0x4e: {  	v61 =	vld [tilespmem:s17+$0x10];
	[tilespmem:s18+$0x0 ss:$0x21] =	vst.msk $0xffff, v1;
	p1 =	sgt.s32 s10, $0x60;
	s24 =	ssub.s32 s21, s22;
	s21 =	smov.u32 s10  }
0x4f: {  	v62 =	vld [tilespmem:s17+$0x20];
	[tilespmem:s19+$0xE70 ss:$0x21] =	vst.msk $0xffff, v0;
	s31 =	smulhi.u32 $0x218DEF5, s20;
	s22 =	sand.u32 s25, s10;
	s21 =	simm.s32 @!p1 $0x60  }
0x50: {  	v63 =	vld [tilespmem:s17+$0xFFFFFFC0];
	[tilespmem:s19+$0x210 ss:$0x21] =	vst.msk $0xffff, v5;
	s26 =	sadd.s32 $0xFFF0BE40, s24;
	s17 =	ssub.s32 $0xF4240, s24;
	s21 =	ssub.s32 s21, s22  }
0x51: {  	[tilespmem:s19+$0x420 ss:$0x21] =	vst.msk $0xffff, v58;
	s23 =	sshrl.u32 s31, $0xD;
	p1 =	sgt.s32 s26, $0x7F;
	s27 =	sadd.s32 $0xFFFFFFA0, s21  }
0x52: {  	[tilespmem:s19+$0x630 ss:$0x21] =	vst.msk $0xffff, v59;
	s23 =	smul.u32 $0xF4240, s23;
	s18 =	ssub.s32 $0x80, s21;
	p2 =	sgt.s32 s27, $0x1F  }
.Ltmp4:
0x53: {  	[tilespmem:s19+$0x840 ss:$0x21] =	vst.msk $0xffff, v60;
	s17 =	simm.s32 @p1 $0x0;
	s18 =	simm.s32 @p2 $0x0;
	(pc) =	sbr.rel .LBB1_5-.Ltmp4, $4  }
0x54: {  	s29 =	sand.u32 $0xF, s28;
	[tilespmem:s19+$0xA50 ss:$0x21] =	vst.msk $0xffff, v61;
	s20 =	ssub.s32 s20, s23;
	s17 =	smul.u32 s18, s17  }
0x55: {  	[tilespmem:s19+$0xC60 ss:$0x21] =	vst.msk $0xffff, v62;
	s21 =	sshll.u32 s30, $0x12;
	s20 =	sshll.u32 s20, $0x4;
	s18 =	sadd.s32 s5, s29  }
0x56: {  	[tilespmem:s19+$0x0 ss:$0x21] =	vst.msk $0xffff, v63;
	s31 =	sor.u32 $0x20, s21;
	s18 =	sadd.s32 s20, s18;
	s17 =	sand.u32 $0x3FFFFFFF, s17  }
0x57: {  	[hbm4b:s18+s31] =	stream.strided.scatter [tilespmem:s16], [sflag:$0x2], s17, s8, s31, $0x10;
	[tilespmem:$0x4100] =	vst v63  }
.LBB1_6:
0x58: {  	_ =	sfence.sel $0x180000  }
0x59: {  	s2 =	simm.s32 $0x1;
	[bflag:$0x0] =	sbarrier.arrive $0xFFFF  }
0x5a: {  	s31 =	simm.s32 $0x2;
	[sflag:s2] =	ssyncpa.u1 $0x1  }
0x5b: {  	[sflag:s31] =	ssyncpa.u1 $0x1  }
0x5c: {  	p0 =	sne.s32 s1, $0x0;
	_ =	strace $0x90000047  }
0x5d: {  	s0 =	sadd.s32 @!p0 $0x100000, s0;
	[bflag:$0x2] =	sbarrier.arrive $0xFFFF  }
0x5e: {  	[sflag:s0] =	ssyncadd.tile.s32 @!p0 $0x1;
	_ =	shalt  }
.Lfunc_end1:
_tile_overlayer_lowered:
.L_overlay_start_2:
0x5f: {  	(tag) =	ssettag $0x2  }
0x60: {  	s0 =	rddreg [dreg:$0x0];
	s2 =	stileid.u32  }
0x61: {  	s1 =	rddreg [dreg:$0x1];
	p0 =	sne.s32 s2, $0x0  }
0x62: {  	s3 =	rddreg [dreg:$0x2];
	[bflag:$0x3] =	sbarrier.arrive $0xFFFF;
	s2 =	simm.s32 @!p0 $0x1C01  }
0x63: {  	[timem:s3], [sflag:s2] =	dma.local @!p0 [hbm:s0], s1  }
0x64: {  	s0 =	simm.s32 @!p0 $0x1  }
0x65: {  	_ =	swait.ge @!p0 [sflag:s0], s1  }
0x66: {  	s1 =	ssub.s32 @!p0 $0x0, s1;
	[sflag:s0] =	ssyncset.done @!p0 $0x0  }
0x67: {  	[sflag:s0] =	ssyncadd.s32 @!p0 s1  }
0x68: {  	[bflag:$0x3] =	sbarrier.arrive $0xFFFF  }
0x69: {  	_ =	shalt  }

</sc_bundles>
